<compile_context>
chip_gen: v7x
topology: tpu7x:2x2x1
jax: 0.10.2.dev20260603
libtpu: 0.0.44.dev20260713+nightly
codegen_flags: <defaults>
</compile_context>

<pallas_src>
import functools

import jax
import jax.numpy as jnp
from jax import lax
from jax.experimental import pallas as pl
from jax.experimental.pallas import tpu as pltpu
from jax.experimental.pallas import tpu_sc as plsc

N_TOK = 2048
D_IN = 1024
P = 1024
H = 512
E = 64
K = 2
O = 512
CAP = 96
TB = 128
NB = N_TOK // TB
TRASH = E * CAP
BUF_ROWS = E * CAP + CAP
NSLOT = N_TOK * K

_NC = 2
_NS = 16
_NW = _NC * _NS
_SLOTS_PER_W = NSLOT // _NW
_CHUNK = 32


def _silu(v):
    return v / (1.0 + jnp.exp(-v))


def _stage_a_body(x_ref, win_ref, bin_ref, wg_ref,
                  h_ref, gf_ref, dst_ref, srcg_ref, carry_ref):
    @pl.when(pl.program_id(0) == 0)
    def _init():
        carry_ref[...] = jnp.zeros_like(carry_ref)

    xb = x_ref[...]
    hb = jnp.dot(xb, win_ref[...], preferred_element_type=jnp.float32)
    hb = hb + bin_ref[...]
    h_ref[...] = hb

    logits = jnp.dot(hb, wg_ref[...], preferred_element_type=jnp.float32)
    colf = lax.broadcasted_iota(jnp.int32, (TB, E), 1).astype(jnp.float32)
    m1 = jnp.max(logits, axis=1, keepdims=True)
    i1f = jnp.min(jnp.where(logits == m1, colf, 1e9), axis=1, keepdims=True)
    oh1 = colf == i1f
    lm = jnp.where(oh1, -1e30, logits)
    m2 = jnp.max(lm, axis=1, keepdims=True)
    i2f = jnp.min(jnp.where(lm == m2, colf, 1e9), axis=1, keepdims=True)
    oh2 = colf == i2f
    g1 = 1.0 / (1.0 + jnp.exp(m2 - m1))
    g2 = 1.0 / (1.0 + jnp.exp(m1 - m2))

    oh = oh1.astype(jnp.float32) + oh2.astype(jnp.float32)
    r = lax.broadcasted_iota(jnp.int32, (TB, TB), 0)
    c = lax.broadcasted_iota(jnp.int32, (TB, TB), 1)
    tril = (r > c).astype(jnp.bfloat16)
    cnt_prev = jnp.dot(tril, oh.astype(jnp.bfloat16),
                       preferred_element_type=jnp.float32)
    base = carry_ref[...] + cnt_prev
    pos1 = jnp.sum(jnp.where(oh1, base, 0.0), axis=1, keepdims=True)
    pos2 = jnp.sum(jnp.where(oh2, base, 0.0), axis=1, keepdims=True)
    carry_ref[...] = carry_ref[...] + jnp.sum(oh, axis=0, keepdims=True)

    k1 = pos1 < CAP
    k2 = pos2 < CAP
    i1 = i1f.astype(jnp.int32)
    i2 = i2f.astype(jnp.int32)
    p1 = jnp.clip(pos1.astype(jnp.int32), 0, CAP - 1)
    p2 = jnp.clip(pos2.astype(jnp.int32), 0, CAP - 1)
    row1 = i1 * CAP + p1
    row2 = i2 * CAP + p2
    d1 = jnp.where(k1, row1, TRASH + i1)
    d2 = jnp.where(k2, row2, TRASH + i2)
    s1 = jnp.where(k1, row1, 0)
    s2 = jnp.where(k2, row2, 0)
    gf_ref[...] = jnp.concatenate(
        [jnp.where(k1, g1, 0.0), jnp.where(k2, g2, 0.0)], axis=1)
    dst_ref[...] = jnp.concatenate([d1, d2], axis=1)
    srcg_ref[...] = jnp.concatenate([s1, s2], axis=1)


def _stage_a(x, w_in, b_in2, wg):
    return pl.pallas_call(
        _stage_a_body,
        grid=(NB,),
        in_specs=[
            pl.BlockSpec((TB, D_IN), lambda i: (i, 0)),
            pl.BlockSpec((D_IN, P), lambda i: (0, 0)),
            pl.BlockSpec((1, P), lambda i: (0, 0)),
            pl.BlockSpec((P, E), lambda i: (0, 0)),
        ],
        out_specs=[
            pl.BlockSpec((TB, P), lambda i: (i, 0)),
            pl.BlockSpec((TB, K), lambda i: (i, 0)),
            pl.BlockSpec((TB, K), lambda i: (i, 0)),
            pl.BlockSpec((TB, K), lambda i: (i, 0)),
        ],
        out_shape=[
            jax.ShapeDtypeStruct((N_TOK, P), jnp.float32),
            jax.ShapeDtypeStruct((N_TOK, K), jnp.float32),
            jax.ShapeDtypeStruct((N_TOK, K), jnp.int32),
            jax.ShapeDtypeStruct((N_TOK, K), jnp.int32),
        ],
        scratch_shapes=[pltpu.VMEM((1, E), jnp.float32)],
    )(x, w_in, b_in2, wg)


def _worker_id():
    return lax.axis_index("s") * _NC + lax.axis_index("c")


_NCH = _SLOTS_PER_W // _CHUNK


@functools.cache
def _build_sc_dispatch():
    mesh = plsc.VectorSubcoreMesh(core_axis_name="c", subcore_axis_name="s")

    @functools.partial(
        pl.kernel,
        out_type=jax.ShapeDtypeStruct((BUF_ROWS, P), jnp.float32),
        mesh=mesh,
        scratch_types=[
            pltpu.VMEM((_NCH, _CHUNK), jnp.int32),
            pltpu.VMEM((_CHUNK, P), jnp.float32),
            pltpu.VMEM((_CHUNK, P), jnp.float32),
            pltpu.SemaphoreType.DMA,
            pltpu.SemaphoreType.DMA,
            pltpu.SemaphoreType.DMA,
            pltpu.SemaphoreType.DMA,
        ],
    )
    def dispatch(h_hbm, dst_hbm, buf_hbm, dst_v, r0, r1, g0, g1, s0, s1):
        wid = _worker_id()
        rows = [r0, r1]
        gsem = [g0, g1]
        ssem = [s0, s1]
        pltpu.sync_copy(dst_hbm.at[wid], dst_v)
        tok0 = (wid * _SLOTS_PER_W) % N_TOK
        gathers = [None, None]
        scatters = [None, None]
        gathers[0] = pltpu.async_copy(
            h_hbm.at[pl.ds(tok0, _CHUNK)], rows[0], gsem[0])
        for c in range(_NCH):
            b = c % 2
            nb = (c + 1) % 2
            if c + 1 < _NCH:
                if scatters[nb] is not None:
                    scatters[nb].wait()
                gathers[nb] = pltpu.async_copy(
                    h_hbm.at[pl.ds(tok0 + (c + 1) * _CHUNK, _CHUNK)],
                    rows[nb], gsem[nb])
            gathers[b].wait()
            scatters[b] = pltpu.async_copy(
                rows[b], buf_hbm.at[dst_v.at[c]], ssem[b])
        scatters[(_NCH - 1) % 2].wait()
        scatters[_NCH % 2].wait()

    return dispatch


@functools.cache
def _build_sc_combine():
    mesh = plsc.VectorSubcoreMesh(core_axis_name="c", subcore_axis_name="s")

    @functools.partial(
        pl.kernel,
        out_type=jax.ShapeDtypeStruct((NSLOT, P), jnp.float32),
        mesh=mesh,
        scratch_types=[
            pltpu.VMEM((_NCH, _CHUNK), jnp.int32),
            pltpu.VMEM((_CHUNK, P), jnp.float32),
            pltpu.VMEM((_CHUNK, P), jnp.float32),
            pltpu.SemaphoreType.DMA,
            pltpu.SemaphoreType.DMA,
            pltpu.SemaphoreType.DMA,
            pltpu.SemaphoreType.DMA,
        ],
    )
    def combine(eout_hbm, srcg_hbm, yrep_hbm, idx_v, r0, r1, g0, g1, s0, s1):
        wid = _worker_id()
        rows = [r0, r1]
        gsem = [g0, g1]
        ssem = [s0, s1]
        pltpu.sync_copy(srcg_hbm.at[wid], idx_v)
        gathers = [None, None]
        stores = [None, None]
        gathers[0] = pltpu.async_copy(eout_hbm.at[idx_v.at[0]], rows[0], gsem[0])
        for c in range(_NCH):
            b = c % 2
            nb = (c + 1) % 2
            if c + 1 < _NCH:
                if stores[nb] is not None:
                    stores[nb].wait()
                gathers[nb] = pltpu.async_copy(
                    eout_hbm.at[idx_v.at[c + 1]], rows[nb], gsem[nb])
            gathers[b].wait()
            base = wid * _SLOTS_PER_W + c * _CHUNK
            stores[b] = pltpu.async_copy(
                rows[b], yrep_hbm.at[pl.ds(base, _CHUNK)], ssem[b])
        stores[(_NCH - 1) % 2].wait()
        stores[_NCH % 2].wait()

    return combine


def _sc_dispatch(h, dst_f):
    dst3 = dst_f.reshape(_NW, _NCH, _CHUNK)
    return _build_sc_dispatch()(h, dst3)


def _sc_combine(eout, srcg_f):
    sg3 = srcg_f.reshape(_NW, _NCH, _CHUNK)
    return _build_sc_combine()(eout, sg3)


_EB = 2


def _stage_d_body(buf_ref, w1_ref, b1_ref, w2_ref, b2_ref, eout_ref):
    for j in range(_EB):
        rows = buf_ref[pl.ds(j * CAP, CAP), :]
        a = jnp.dot(rows, w1_ref[j], preferred_element_type=jnp.float32)
        a = _silu(a + b1_ref[j])
        o = jnp.dot(a, w2_ref[j], preferred_element_type=jnp.float32)
        eout_ref[pl.ds(j * CAP, CAP), :] = o + b2_ref[j]


def _stage_d(buf, w1, b1, w2, b2):
    return pl.pallas_call(
        _stage_d_body,
        grid=(E // _EB,),
        in_specs=[
            pl.BlockSpec((_EB * CAP, P), lambda e: (e, 0)),
            pl.BlockSpec((_EB, P, H), lambda e: (e, 0, 0)),
            pl.BlockSpec((_EB, 1, H), lambda e: (e, 0, 0)),
            pl.BlockSpec((_EB, H, P), lambda e: (e, 0, 0)),
            pl.BlockSpec((_EB, 1, P), lambda e: (e, 0, 0)),
        ],
        out_specs=pl.BlockSpec((_EB * CAP, P), lambda e: (e, 0)),
        out_shape=jax.ShapeDtypeStruct((E * CAP, P), jnp.float32),
    )(buf, w1, b1.reshape(E, 1, H), w2, b2.reshape(E, 1, P))


def _stage_f_body(y0_ref, y1_ref, g0_ref, g1_ref, h_ref,
                  wsg_ref, bsg_ref, wsu_ref, bsu_ref, wsd_ref, bsd_ref,
                  wm1_ref, bm1_ref, wm2_ref, bm2_ref, wo_ref, bo_ref,
                  out_ref):
    g0 = g0_ref[...]
    g1 = g1_ref[...]
    moe = (jnp.where(g0 > 0, y0_ref[...] * g0, 0.0)
           + jnp.where(g1 > 0, y1_ref[...] * g1, 0.0))
    hb = h_ref[...]
    sg = jnp.dot(hb, wsg_ref[...], preferred_element_type=jnp.float32)
    su = jnp.dot(hb, wsu_ref[...], preferred_element_type=jnp.float32)
    mid = _silu(sg + bsg_ref[...]) * (su + bsu_ref[...])
    shared = jnp.dot(mid, wsd_ref[...], preferred_element_type=jnp.float32)
    y = moe + shared + bsd_ref[...]
    t = _silu(jnp.dot(y, wm1_ref[...], preferred_element_type=jnp.float32)
              + bm1_ref[...])
    t = jnp.dot(t, wm2_ref[...], preferred_element_type=jnp.float32)
    t = t + bm2_ref[...]
    out_ref[...] = (jnp.dot(t, wo_ref[...], preferred_element_type=jnp.float32)
                    + bo_ref[...])


def _stage_f(yrep, gf_col, h, wsg, bsg2, wsu, bsu2, wsd, bsd2,
             wm1, bm12, wm2, bm22, wo, bo2):
    full = lambda shape: pl.BlockSpec(shape, lambda i: tuple(0 for _ in shape))
    return pl.pallas_call(
        _stage_f_body,
        grid=(NB,),
        in_specs=[
            pl.BlockSpec((TB, P), lambda i: (i, 0)),
            pl.BlockSpec((TB, P), lambda i: (NB + i, 0)),
            pl.BlockSpec((TB, 1), lambda i: (i, 0)),
            pl.BlockSpec((TB, 1), lambda i: (NB + i, 0)),
            pl.BlockSpec((TB, P), lambda i: (i, 0)),
            full((P, H)), full((1, H)),
            full((P, H)), full((1, H)),
            full((H, P)), full((1, P)),
            full((P, H)), full((1, H)),
            full((H, H)), full((1, H)),
            full((H, O)), full((1, O)),
        ],
        out_specs=pl.BlockSpec((TB, O), lambda i: (i, 0)),
        out_shape=jax.ShapeDtypeStruct((N_TOK, O), jnp.float32),
    )(yrep, yrep, gf_col, gf_col, h, wsg, bsg2, wsu, bsu2, wsd, bsd2,
      wm1, bm12, wm2, bm22, wo, bo2)


def kernel(x, W_in, b_in, Wg, W1, b1, W2, b2, Wsg, bsg, Wsu, bsu,
           Wsd, bsd, Wm1, bm1, Wm2, bm2, Wo, bo):
    h, gf, dst, srcg = _stage_a(x, W_in, b_in.reshape(1, P), Wg)

    dst_f = dst.T.reshape(-1)
    srcg_f = srcg.T.reshape(-1)
    gf_col = gf.T.reshape(-1, 1)

    buf = _sc_dispatch(h, dst_f)
    eout = _stage_d(buf, W1, b1, W2, b2)
    yrep = _sc_combine(eout, srcg_f)

    return _stage_f(
        yrep, gf_col, h,
        Wsg, bsg.reshape(1, H), Wsu, bsu.reshape(1, H), Wsd, bsd.reshape(1, P),
        Wm1, bm1.reshape(1, H), Wm2, bm2.reshape(1, H), Wo, bo.reshape(1, O))

# --- scband reference (transcript-rebuilt; emitter-appended) ---
"""Pipeline reference for scband-fast-mo-emlp-73143293051314 (READ-ONLY COPY).

The authoritative reference and input builder live on the scoring server;
editing this copy changes nothing except your own understanding.
"""

import jax, jax.numpy as jnp
import numpy as np

N_TOK = 2048
D_IN = 1024
P = 1024
H = 512
E = 64
K = 2
O = 512
NS = 1
CAP = int(np.ceil(1.5 * N_TOK * K / E))


def setup_inputs(seed: int = 0):
    key = jax.random.key(seed)
    ks = jax.random.split(key, 16)
    def nrm(i, shape, scale=0.02):
        return jax.random.normal(ks[i], shape, dtype=jnp.float32) * scale
    inp = {}
    inp["x"] = jax.random.normal(ks[0], (N_TOK, D_IN), dtype=jnp.float32)
    inp["W_in"] = nrm(1, (D_IN, P)); inp["b_in"] = jnp.zeros((P,), jnp.float32)
    inp["Wg"] = nrm(2, (P, E))
    inp["W1"] = nrm(3, (E, P, H)); inp["b1"] = jnp.zeros((E, H), jnp.float32)
    inp["W2"] = nrm(4, (E, H, P)); inp["b2"] = jnp.zeros((E, P), jnp.float32)
    inp["Wsg"] = nrm(5, (P, H * NS)); inp["bsg"] = jnp.zeros((H * NS,), jnp.float32)
    inp["Wsu"] = nrm(6, (P, H * NS)); inp["bsu"] = jnp.zeros((H * NS,), jnp.float32)
    inp["Wsd"] = nrm(7, (H * NS, P)); inp["bsd"] = jnp.zeros((P,), jnp.float32)
    inp["Wm1"] = nrm(8, (P, H)); inp["bm1"] = jnp.zeros((H,), jnp.float32)
    inp["Wm2"] = nrm(9, (H, H)); inp["bm2"] = jnp.zeros((H,), jnp.float32)
    inp["Wo"] = nrm(10, (H, O)); inp["bo"] = jnp.zeros((O,), jnp.float32)
    return inp


def _silu(v):
    return v * jax.nn.sigmoid(v)


def _forward(x, W_in, b_in, Wg, W1, b1, W2, b2, Wsg, bsg, Wsu, bsu, Wsd, bsd, Wm1, bm1, Wm2, bm2, Wo, bo):
    # input projection
    h = x @ W_in + b_in
    # tutel top-k gate (eval mode: gate_noise=0), normalize_gate=True
    logits = h @ Wg
    scores = jax.nn.softmax(logits, axis=-1)
    g_vals, g_idx = jax.lax.top_k(scores, K)
    gates = g_vals / jnp.sum(g_vals, axis=-1, keepdims=True)  # normalize over selected experts
    gates = gates * 1.0  # moe_routed_scaling_factor
    idx_flat = g_idx.reshape(-1)
    onehot = jax.nn.one_hot(idx_flat, E, dtype=jnp.float32)
    pos = jnp.sum((jnp.cumsum(onehot, axis=0) - 1.0) * onehot, axis=-1)
    pos_i = jnp.clip(pos.astype(jnp.int32), 0, CAP - 1)
    keep = (pos < CAP).astype(jnp.float32)
    gates_flat = gates.reshape(-1) * keep
    # dispatch tokens into per-expert capacity buffers (scatter-add)
    h_rep = jnp.repeat(h, K, axis=0)
    buf = jnp.zeros((E, CAP, P), jnp.float32).at[idx_flat, pos_i].add(h_rep * keep[:, None])
    # expert FFN (silu activation, fc1/fc2 with bias)
    act = _silu(jnp.einsum('ecp,eph->ech', buf, W1) + b1[:, None, :])
    eout = jnp.einsum('ech,ehp->ecp', act, W2) + b2[:, None, :]
    # combine (gather back by assignment, weight by gate)
    y_flat = eout[idx_flat, pos_i] * gates_flat[:, None]
    moe_out = jnp.sum(y_flat.reshape(N_TOK, K, P), axis=1)
    # shared experts: DeepseekV3MLP (gate/up/down, silu)
    shared = (_silu(h @ Wsg + bsg) * (h @ Wsu + bsu)) @ Wsd + bsd
    y = moe_out + shared
    # output_mlp: Linear -> SiLU -> Linear
    t = _silu(y @ Wm1 + bm1) @ Wm2 + bm2
    # output_head
    return t @ Wo + bo


def reference(x, W_in, b_in, Wg, W1, b1, W2, b2, Wsg, bsg, Wsu, bsu, Wsd, bsd, Wm1, bm1, Wm2, bm2, Wo, bo):
    return _forward(x, W_in, b_in, Wg, W1, b1, W2, b2, Wsg, bsg, Wsu, bsu, Wsd, bsd, Wm1, bm1, Wm2, bm2, Wo, bo)

if __name__ == "__main__":
    import jax
    _d = setup_inputs()
    print(jax.jit(kernel)(*tuple(_d.values())))

</pallas_src>

<mosaic_0001>
#map = affine_map<(d0, d1) -> (0, 0)>
#map1 = affine_map<(d0, d1) -> (0, 0, 0)>
module attributes {stable_mosaic.version = 14 : i64} {
  func.func @combine(%arg0: i32, %arg1: i32, %arg2: memref<6144x1024xf32, #tpu.memory_space<hbm>>, %arg3: memref<32x4x32xi32, #tpu.memory_space<hbm>>, %arg4: memref<4096x1024xf32, #tpu.memory_space<hbm>>, %arg5: memref<4x32xi32, #tpu.memory_space<vmem>>, %arg6: memref<32x1024xf32, #tpu.memory_space<vmem>>, %arg7: memref<32x1024xf32, #tpu.memory_space<vmem>>, %arg8: memref<!tpu.dma_semaphore, #tpu.memory_space<semaphore_mem>>, %arg9: memref<!tpu.dma_semaphore, #tpu.memory_space<semaphore_mem>>, %arg10: memref<!tpu.dma_semaphore, #tpu.memory_space<semaphore_mem>>, %arg11: memref<!tpu.dma_semaphore, #tpu.memory_space<semaphore_mem>>) attributes {dimension_semantics = [#tpu.dimension_semantics<core_parallel>, #tpu.dimension_semantics<subcore_parallel>], iteration_bounds = array<i64: 2, 16>, scalar_prefetch = 0 : i64, scratch_operands = 7 : i64, tpu.core_type = #tpu.core_type<sc_vector_subcore>, window_params = [{transform_indices = #map}, {transform_indices = #map1}, {transform_indices = #map}]} {
    %mul3A = arith.constant 2 : i32
    %mul3A_0 = arith.muli %arg1, %mul3A : i32
    %add3A = arith.addi %mul3A_0, %arg0 : i32
    "tpu.region"() ({
      %run_scoped3A = tpu.sem_alloc : memref<!tpu.dma_semaphore, #tpu.memory_space<semaphore_mem>>
      %dma_start3A_103 = arith.constant 0 : i32
      %dma_start3A_104 = arith.constant 0 : i32
      %dma_start3A_105 = tpu.memref_slice %arg3[%add3A, %dma_start3A_103, %dma_start3A_104] : memref<32x4x32xi32, #tpu.memory_space<hbm>> -> memref<1x4x32xi32, #tpu.memory_space<hbm>>
      %dma_start3A_106 = tpu.memref_squeeze %dma_start3A_105 : memref<1x4x32xi32, #tpu.memory_space<hbm>> -> memref<4x32xi32, #tpu.memory_space<hbm>>
      %dma_start3A_107 = arith.constant 0 : i32
      %dma_start3A_108 = arith.constant 0 : i32
      %dma_start3A_109 = tpu.memref_slice %arg3[%add3A, %dma_start3A_107, %dma_start3A_108] : memref<32x4x32xi32, #tpu.memory_space<hbm>> -> memref<1x4x32xi32, #tpu.memory_space<hbm>>
      %dma_start3A_110 = tpu.memref_squeeze %dma_start3A_109 : memref<1x4x32xi32, #tpu.memory_space<hbm>> -> memref<4x32xi32, #tpu.memory_space<hbm>>
      tpu.enqueue_dma source(%dma_start3A_110 : memref<4x32xi32, #tpu.memory_space<hbm>>) target(%arg5 : memref<4x32xi32, #tpu.memory_space<vmem>>) target_semaphore(%run_scoped3A : memref<!tpu.dma_semaphore, #tpu.memory_space<semaphore_mem>>)
      %dma_wait3A_111 = arith.constant 0 : i32
      %dma_wait3A_112 = arith.constant 0 : i32
      %dma_wait3A_113 = tpu.memref_slice %arg3[%add3A, %dma_wait3A_111, %dma_wait3A_112] : memref<32x4x32xi32, #tpu.memory_space<hbm>> -> memref<1x4x32xi32, #tpu.memory_space<hbm>>
      %dma_wait3A_114 = tpu.memref_squeeze %dma_wait3A_113 : memref<1x4x32xi32, #tpu.memory_space<hbm>> -> memref<4x32xi32, #tpu.memory_space<hbm>>
      %dma_wait3A_115 = arith.constant 0 : i32
      %dma_wait3A_116 = arith.constant 0 : i32
      %dma_wait3A_117 = tpu.memref_slice %arg3[%add3A, %dma_wait3A_115, %dma_wait3A_116] : memref<32x4x32xi32, #tpu.memory_space<hbm>> -> memref<1x4x32xi32, #tpu.memory_space<hbm>>
      %dma_wait3A_118 = tpu.memref_squeeze %dma_wait3A_117 : memref<1x4x32xi32, #tpu.memory_space<hbm>> -> memref<4x32xi32, #tpu.memory_space<hbm>>
      tpu.wait_dma2 semaphore(%run_scoped3A : memref<!tpu.dma_semaphore, #tpu.memory_space<semaphore_mem>>) src(%dma_wait3A_118 : memref<4x32xi32, #tpu.memory_space<hbm>>) dst(%arg5 : memref<4x32xi32, #tpu.memory_space<vmem>>)
      tpu.yield
    }) : () -> ()
    %dma_start3A = arith.constant 0 : i32
    %dma_start3A_1 = arith.constant 0 : i32
    %dma_start3A_2 = tpu.memref_slice %arg5[%dma_start3A, %dma_start3A_1] : memref<4x32xi32, #tpu.memory_space<vmem>> -> memref<1x32xi32, #tpu.memory_space<vmem>>
    %dma_start3A_3 = tpu.memref_squeeze %dma_start3A_2 : memref<1x32xi32, #tpu.memory_space<vmem>> -> memref<32xi32, #tpu.memory_space<vmem>>
    %dma_start3A_4 = arith.constant 0 : i32
    %dma_start3A_5 = arith.constant 0 : i32
    %dma_start3A_6 = tpu.memref_slice %arg2[%dma_start3A_4, %dma_start3A_5] : memref<6144x1024xf32, #tpu.memory_space<hbm>> -> memref<6144x1024xf32, #tpu.memory_space<hbm>>
    tpu.enqueue_indirect_dma source(%dma_start3A_6 : memref<6144x1024xf32, #tpu.memory_space<hbm>>) target(%arg6 : memref<32x1024xf32, #tpu.memory_space<vmem>>) offsets(%dma_start3A_3 : memref<32xi32, #tpu.memory_space<vmem>>) semaphore(%arg8 : memref<!tpu.dma_semaphore, #tpu.memory_space<semaphore_mem>>)
    %dma_start3A_7 = arith.constant 1 : i32
    %dma_start3A_8 = arith.constant 0 : i32
    %dma_start3A_9 = tpu.memref_slice %arg5[%dma_start3A_7, %dma_start3A_8] : memref<4x32xi32, #tpu.memory_space<vmem>> -> memref<1x32xi32, #tpu.memory_space<vmem>>
    %dma_start3A_10 = tpu.memref_squeeze %dma_start3A_9 : memref<1x32xi32, #tpu.memory_space<vmem>> -> memref<32xi32, #tpu.memory_space<vmem>>
    %dma_start3A_11 = arith.constant 0 : i32
    %dma_start3A_12 = arith.constant 0 : i32
    %dma_start3A_13 = tpu.memref_slice %arg2[%dma_start3A_11, %dma_start3A_12] : memref<6144x1024xf32, #tpu.memory_space<hbm>> -> memref<6144x1024xf32, #tpu.memory_space<hbm>>
    tpu.enqueue_indirect_dma source(%dma_start3A_13 : memref<6144x1024xf32, #tpu.memory_space<hbm>>) target(%arg7 : memref<32x1024xf32, #tpu.memory_space<vmem>>) offsets(%dma_start3A_10 : memref<32xi32, #tpu.memory_space<vmem>>) semaphore(%arg9 : memref<!tpu.dma_semaphore, #tpu.memory_space<semaphore_mem>>)
    %dma_wait3A = arith.constant 0 : i32
    %dma_wait3A_14 = arith.constant 0 : i32
    %dma_wait3A_15 = tpu.memref_slice %arg5[%dma_wait3A, %dma_wait3A_14] : memref<4x32xi32, #tpu.memory_space<vmem>> -> memref<1x32xi32, #tpu.memory_space<vmem>>
    %dma_wait3A_16 = tpu.memref_squeeze %dma_wait3A_15 : memref<1x32xi32, #tpu.memory_space<vmem>> -> memref<32xi32, #tpu.memory_space<vmem>>
    %dma_wait3A_17 = arith.constant 0 : i32
    %dma_wait3A_18 = arith.constant 0 : i32
    %dma_wait3A_19 = tpu.memref_slice %arg2[%dma_wait3A_17, %dma_wait3A_18] : memref<6144x1024xf32, #tpu.memory_space<hbm>> -> memref<6144x1024xf32, #tpu.memory_space<hbm>>
    tpu.wait_indirect_dma semaphore(%arg8 : memref<!tpu.dma_semaphore, #tpu.memory_space<semaphore_mem>>) src(%dma_wait3A_19 : memref<6144x1024xf32, #tpu.memory_space<hbm>>) dst(%arg6 : memref<32x1024xf32, #tpu.memory_space<vmem>>)
    %mul3A_20 = arith.constant 128 : i32
    %mul3A_21 = arith.muli %add3A, %mul3A_20 : i32
    %add3A_22 = arith.constant 0 : i32
    %add3A_23 = arith.addi %mul3A_21, %add3A_22 : i32
    %dma_start3A_24 = arith.constant 0 : i32
    %dma_start3A_25 = tpu.memref_slice %arg4[%add3A_23, %dma_start3A_24] : memref<4096x1024xf32, #tpu.memory_space<hbm>> -> memref<32x1024xf32, #tpu.memory_space<hbm>>
    %dma_start3A_26 = arith.constant 0 : i32
    %dma_start3A_27 = tpu.memref_slice %arg4[%add3A_23, %dma_start3A_26] : memref<4096x1024xf32, #tpu.memory_space<hbm>> -> memref<32x1024xf32, #tpu.memory_space<hbm>>
    tpu.enqueue_dma source(%arg6 : memref<32x1024xf32, #tpu.memory_space<vmem>>) target(%dma_start3A_27 : memref<32x1024xf32, #tpu.memory_space<hbm>>) target_semaphore(%arg10 : memref<!tpu.dma_semaphore, #tpu.memory_space<semaphore_mem>>)
    %dma_wait3A_28 = arith.constant 0 : i32
    %dma_wait3A_29 = tpu.memref_slice %arg4[%add3A_23, %dma_wait3A_28] : memref<4096x1024xf32, #tpu.memory_space<hbm>> -> memref<32x1024xf32, #tpu.memory_space<hbm>>
    %dma_wait3A_30 = arith.constant 0 : i32
    %dma_wait3A_31 = tpu.memref_slice %arg4[%add3A_23, %dma_wait3A_30] : memref<4096x1024xf32, #tpu.memory_space<hbm>> -> memref<32x1024xf32, #tpu.memory_space<hbm>>
    tpu.wait_dma2 semaphore(%arg10 : memref<!tpu.dma_semaphore, #tpu.memory_space<semaphore_mem>>) src(%arg6 : memref<32x1024xf32, #tpu.memory_space<vmem>>) dst(%dma_wait3A_31 : memref<32x1024xf32, #tpu.memory_space<hbm>>)
    %dma_start3A_32 = arith.constant 2 : i32
    %dma_start3A_33 = arith.constant 0 : i32
    %dma_start3A_34 = tpu.memref_slice %arg5[%dma_start3A_32, %dma_start3A_33] : memref<4x32xi32, #tpu.memory_space<vmem>> -> memref<1x32xi32, #tpu.memory_space<vmem>>
    %dma_start3A_35 = tpu.memref_squeeze %dma_start3A_34 : memref<1x32xi32, #tpu.memory_space<vmem>> -> memref<32xi32, #tpu.memory_space<vmem>>
    %dma_start3A_36 = arith.constant 0 : i32
    %dma_start3A_37 = arith.constant 0 : i32
    %dma_start3A_38 = tpu.memref_slice %arg2[%dma_start3A_36, %dma_start3A_37] : memref<6144x1024xf32, #tpu.memory_space<hbm>> -> memref<6144x1024xf32, #tpu.memory_space<hbm>>
    tpu.enqueue_indirect_dma source(%dma_start3A_38 : memref<6144x1024xf32, #tpu.memory_space<hbm>>) target(%arg6 : memref<32x1024xf32, #tpu.memory_space<vmem>>) offsets(%dma_start3A_35 : memref<32xi32, #tpu.memory_space<vmem>>) semaphore(%arg8 : memref<!tpu.dma_semaphore, #tpu.memory_space<semaphore_mem>>)
    %dma_wait3A_39 = arith.constant 1 : i32
    %dma_wait3A_40 = arith.constant 0 : i32
    %dma_wait3A_41 = tpu.memref_slice %arg5[%dma_wait3A_39, %dma_wait3A_40] : memref<4x32xi32, #tpu.memory_space<vmem>> -> memref<1x32xi32, #tpu.memory_space<vmem>>
    %dma_wait3A_42 = tpu.memref_squeeze %dma_wait3A_41 : memref<1x32xi32, #tpu.memory_space<vmem>> -> memref<32xi32, #tpu.memory_space<vmem>>
    %dma_wait3A_43 = arith.constant 0 : i32
    %dma_wait3A_44 = arith.constant 0 : i32
    %dma_wait3A_45 = tpu.memref_slice %arg2[%dma_wait3A_43, %dma_wait3A_44] : memref<6144x1024xf32, #tpu.memory_space<hbm>> -> memref<6144x1024xf32, #tpu.memory_space<hbm>>
    tpu.wait_indirect_dma semaphore(%arg9 : memref<!tpu.dma_semaphore, #tpu.memory_space<semaphore_mem>>) src(%dma_wait3A_45 : memref<6144x1024xf32, #tpu.memory_space<hbm>>) dst(%arg7 : memref<32x1024xf32, #tpu.memory_space<vmem>>)
    %mul3A_46 = arith.constant 128 : i32
    %mul3A_47 = arith.muli %add3A, %mul3A_46 : i32
    %add3A_48 = arith.constant 32 : i32
    %add3A_49 = arith.addi %mul3A_47, %add3A_48 : i32
    %dma_start3A_50 = arith.constant 0 : i32
    %dma_start3A_51 = tpu.memref_slice %arg4[%add3A_49, %dma_start3A_50] : memref<4096x1024xf32, #tpu.memory_space<hbm>> -> memref<32x1024xf32, #tpu.memory_space<hbm>>
    %dma_start3A_52 = arith.constant 0 : i32
    %dma_start3A_53 = tpu.memref_slice %arg4[%add3A_49, %dma_start3A_52] : memref<4096x1024xf32, #tpu.memory_space<hbm>> -> memref<32x1024xf32, #tpu.memory_space<hbm>>
    tpu.enqueue_dma source(%arg7 : memref<32x1024xf32, #tpu.memory_space<vmem>>) target(%dma_start3A_53 : memref<32x1024xf32, #tpu.memory_space<hbm>>) target_semaphore(%arg11 : memref<!tpu.dma_semaphore, #tpu.memory_space<semaphore_mem>>)
    %dma_wait3A_54 = arith.constant 0 : i32
    %dma_wait3A_55 = tpu.memref_slice %arg4[%add3A_49, %dma_wait3A_54] : memref<4096x1024xf32, #tpu.memory_space<hbm>> -> memref<32x1024xf32, #tpu.memory_space<hbm>>
    %dma_wait3A_56 = arith.constant 0 : i32
    %dma_wait3A_57 = tpu.memref_slice %arg4[%add3A_49, %dma_wait3A_56] : memref<4096x1024xf32, #tpu.memory_space<hbm>> -> memref<32x1024xf32, #tpu.memory_space<hbm>>
    tpu.wait_dma2 semaphore(%arg11 : memref<!tpu.dma_semaphore, #tpu.memory_space<semaphore_mem>>) src(%arg7 : memref<32x1024xf32, #tpu.memory_space<vmem>>) dst(%dma_wait3A_57 : memref<32x1024xf32, #tpu.memory_space<hbm>>)
    %dma_start3A_58 = arith.constant 3 : i32
    %dma_start3A_59 = arith.constant 0 : i32
    %dma_start3A_60 = tpu.memref_slice %arg5[%dma_start3A_58, %dma_start3A_59] : memref<4x32xi32, #tpu.memory_space<vmem>> -> memref<1x32xi32, #tpu.memory_space<vmem>>
    %dma_start3A_61 = tpu.memref_squeeze %dma_start3A_60 : memref<1x32xi32, #tpu.memory_space<vmem>> -> memref<32xi32, #tpu.memory_space<vmem>>
    %dma_start3A_62 = arith.constant 0 : i32
    %dma_start3A_63 = arith.constant 0 : i32
    %dma_start3A_64 = tpu.memref_slice %arg2[%dma_start3A_62, %dma_start3A_63] : memref<6144x1024xf32, #tpu.memory_space<hbm>> -> memref<6144x1024xf32, #tpu.memory_space<hbm>>
    tpu.enqueue_indirect_dma source(%dma_start3A_64 : memref<6144x1024xf32, #tpu.memory_space<hbm>>) target(%arg7 : memref<32x1024xf32, #tpu.memory_space<vmem>>) offsets(%dma_start3A_61 : memref<32xi32, #tpu.memory_space<vmem>>) semaphore(%arg9 : memref<!tpu.dma_semaphore, #tpu.memory_space<semaphore_mem>>)
    %dma_wait3A_65 = arith.constant 2 : i32
    %dma_wait3A_66 = arith.constant 0 : i32
    %dma_wait3A_67 = tpu.memref_slice %arg5[%dma_wait3A_65, %dma_wait3A_66] : memref<4x32xi32, #tpu.memory_space<vmem>> -> memref<1x32xi32, #tpu.memory_space<vmem>>
    %dma_wait3A_68 = tpu.memref_squeeze %dma_wait3A_67 : memref<1x32xi32, #tpu.memory_space<vmem>> -> memref<32xi32, #tpu.memory_space<vmem>>
    %dma_wait3A_69 = arith.constant 0 : i32
    %dma_wait3A_70 = arith.constant 0 : i32
    %dma_wait3A_71 = tpu.memref_slice %arg2[%dma_wait3A_69, %dma_wait3A_70] : memref<6144x1024xf32, #tpu.memory_space<hbm>> -> memref<6144x1024xf32, #tpu.memory_space<hbm>>
    tpu.wait_indirect_dma semaphore(%arg8 : memref<!tpu.dma_semaphore, #tpu.memory_space<semaphore_mem>>) src(%dma_wait3A_71 : memref<6144x1024xf32, #tpu.memory_space<hbm>>) dst(%arg6 : memref<32x1024xf32, #tpu.memory_space<vmem>>)
    %mul3A_72 = arith.constant 128 : i32
    %mul3A_73 = arith.muli %add3A, %mul3A_72 : i32
    %add3A_74 = arith.constant 64 : i32
    %add3A_75 = arith.addi %mul3A_73, %add3A_74 : i32
    %dma_start3A_76 = arith.constant 0 : i32
    %dma_start3A_77 = tpu.memref_slice %arg4[%add3A_75, %dma_start3A_76] : memref<4096x1024xf32, #tpu.memory_space<hbm>> -> memref<32x1024xf32, #tpu.memory_space<hbm>>
    %dma_start3A_78 = arith.constant 0 : i32
    %dma_start3A_79 = tpu.memref_slice %arg4[%add3A_75, %dma_start3A_78] : memref<4096x1024xf32, #tpu.memory_space<hbm>> -> memref<32x1024xf32, #tpu.memory_space<hbm>>
    tpu.enqueue_dma source(%arg6 : memref<32x1024xf32, #tpu.memory_space<vmem>>) target(%dma_start3A_79 : memref<32x1024xf32, #tpu.memory_space<hbm>>) target_semaphore(%arg10 : memref<!tpu.dma_semaphore, #tpu.memory_space<semaphore_mem>>)
    %dma_wait3A_80 = arith.constant 3 : i32
    %dma_wait3A_81 = arith.constant 0 : i32
    %dma_wait3A_82 = tpu.memref_slice %arg5[%dma_wait3A_80, %dma_wait3A_81] : memref<4x32xi32, #tpu.memory_space<vmem>> -> memref<1x32xi32, #tpu.memory_space<vmem>>
    %dma_wait3A_83 = tpu.memref_squeeze %dma_wait3A_82 : memref<1x32xi32, #tpu.memory_space<vmem>> -> memref<32xi32, #tpu.memory_space<vmem>>
    %dma_wait3A_84 = arith.constant 0 : i32
    %dma_wait3A_85 = arith.constant 0 : i32
    %dma_wait3A_86 = tpu.memref_slice %arg2[%dma_wait3A_84, %dma_wait3A_85] : memref<6144x1024xf32, #tpu.memory_space<hbm>> -> memref<6144x1024xf32, #tpu.memory_space<hbm>>
    tpu.wait_indirect_dma semaphore(%arg9 : memref<!tpu.dma_semaphore, #tpu.memory_space<semaphore_mem>>) src(%dma_wait3A_86 : memref<6144x1024xf32, #tpu.memory_space<hbm>>) dst(%arg7 : memref<32x1024xf32, #tpu.memory_space<vmem>>)
    %mul3A_87 = arith.constant 128 : i32
    %mul3A_88 = arith.muli %add3A, %mul3A_87 : i32
    %add3A_89 = arith.constant 96 : i32
    %add3A_90 = arith.addi %mul3A_88, %add3A_89 : i32
    %dma_start3A_91 = arith.constant 0 : i32
    %dma_start3A_92 = tpu.memref_slice %arg4[%add3A_90, %dma_start3A_91] : memref<4096x1024xf32, #tpu.memory_space<hbm>> -> memref<32x1024xf32, #tpu.memory_space<hbm>>
    %dma_start3A_93 = arith.constant 0 : i32
    %dma_start3A_94 = tpu.memref_slice %arg4[%add3A_90, %dma_start3A_93] : memref<4096x1024xf32, #tpu.memory_space<hbm>> -> memref<32x1024xf32, #tpu.memory_space<hbm>>
    tpu.enqueue_dma source(%arg7 : memref<32x1024xf32, #tpu.memory_space<vmem>>) target(%dma_start3A_94 : memref<32x1024xf32, #tpu.memory_space<hbm>>) target_semaphore(%arg11 : memref<!tpu.dma_semaphore, #tpu.memory_space<semaphore_mem>>)
    %dma_wait3A_95 = arith.constant 0 : i32
    %dma_wait3A_96 = tpu.memref_slice %arg4[%add3A_90, %dma_wait3A_95] : memref<4096x1024xf32, #tpu.memory_space<hbm>> -> memref<32x1024xf32, #tpu.memory_space<hbm>>
    %dma_wait3A_97 = arith.constant 0 : i32
    %dma_wait3A_98 = tpu.memref_slice %arg4[%add3A_90, %dma_wait3A_97] : memref<4096x1024xf32, #tpu.memory_space<hbm>> -> memref<32x1024xf32, #tpu.memory_space<hbm>>
    tpu.wait_dma2 semaphore(%arg11 : memref<!tpu.dma_semaphore, #tpu.memory_space<semaphore_mem>>) src(%arg7 : memref<32x1024xf32, #tpu.memory_space<vmem>>) dst(%dma_wait3A_98 : memref<32x1024xf32, #tpu.memory_space<hbm>>)
    %dma_wait3A_99 = arith.constant 0 : i32
    %dma_wait3A_100 = tpu.memref_slice %arg4[%add3A_75, %dma_wait3A_99] : memref<4096x1024xf32, #tpu.memory_space<hbm>> -> memref<32x1024xf32, #tpu.memory_space<hbm>>
    %dma_wait3A_101 = arith.constant 0 : i32
    %dma_wait3A_102 = tpu.memref_slice %arg4[%add3A_75, %dma_wait3A_101] : memref<4096x1024xf32, #tpu.memory_space<hbm>> -> memref<32x1024xf32, #tpu.memory_space<hbm>>
    tpu.wait_dma2 semaphore(%arg10 : memref<!tpu.dma_semaphore, #tpu.memory_space<semaphore_mem>>) src(%arg6 : memref<32x1024xf32, #tpu.memory_space<vmem>>) dst(%dma_wait3A_102 : memref<32x1024xf32, #tpu.memory_space<hbm>>)
    return
  }
}

#map = affine_map<(d0, d1) -> (0, 0)>
#map1 = affine_map<(d0, d1) -> (0, 0, 0)>
module attributes {stable_mosaic.version = 14 : i64} {
  func.func @dispatch(%arg0: i32, %arg1: i32, %arg2: memref<2048x1024xf32, #tpu.memory_space<hbm>>, %arg3: memref<32x4x32xi32, #tpu.memory_space<hbm>>, %arg4: memref<6240x1024xf32, #tpu.memory_space<hbm>>, %arg5: memref<4x32xi32, #tpu.memory_space<vmem>>, %arg6: memref<32x1024xf32, #tpu.memory_space<vmem>>, %arg7: memref<32x1024xf32, #tpu.memory_space<vmem>>, %arg8: memref<!tpu.dma_semaphore, #tpu.memory_space<semaphore_mem>>, %arg9: memref<!tpu.dma_semaphore, #tpu.memory_space<semaphore_mem>>, %arg10: memref<!tpu.dma_semaphore, #tpu.memory_space<semaphore_mem>>, %arg11: memref<!tpu.dma_semaphore, #tpu.memory_space<semaphore_mem>>) attributes {dimension_semantics = [#tpu.dimension_semantics<core_parallel>, #tpu.dimension_semantics<subcore_parallel>], iteration_bounds = array<i64: 2, 16>, scalar_prefetch = 0 : i64, scratch_operands = 7 : i64, tpu.core_type = #tpu.core_type<sc_vector_subcore>, window_params = [{transform_indices = #map}, {transform_indices = #map1}, {transform_indices = #map}]} {
    %mul3A = arith.constant 2 : i32
    %mul3A_0 = arith.muli %arg1, %mul3A : i32
    %add3A = arith.addi %mul3A_0, %arg0 : i32
    "tpu.region"() ({
      %run_scoped3A = tpu.sem_alloc : memref<!tpu.dma_semaphore, #tpu.memory_space<semaphore_mem>>
      %dma_start3A_104 = arith.constant 0 : i32
      %dma_start3A_105 = arith.constant 0 : i32
      %dma_start3A_106 = tpu.memref_slice %arg3[%add3A, %dma_start3A_104, %dma_start3A_105] : memref<32x4x32xi32, #tpu.memory_space<hbm>> -> memref<1x4x32xi32, #tpu.memory_space<hbm>>
      %dma_start3A_107 = tpu.memref_squeeze %dma_start3A_106 : memref<1x4x32xi32, #tpu.memory_space<hbm>> -> memref<4x32xi32, #tpu.memory_space<hbm>>
      %dma_start3A_108 = arith.constant 0 : i32
      %dma_start3A_109 = arith.constant 0 : i32
      %dma_start3A_110 = tpu.memref_slice %arg3[%add3A, %dma_start3A_108, %dma_start3A_109] : memref<32x4x32xi32, #tpu.memory_space<hbm>> -> memref<1x4x32xi32, #tpu.memory_space<hbm>>
      %dma_start3A_111 = tpu.memref_squeeze %dma_start3A_110 : memref<1x4x32xi32, #tpu.memory_space<hbm>> -> memref<4x32xi32, #tpu.memory_space<hbm>>
      tpu.enqueue_dma source(%dma_start3A_111 : memref<4x32xi32, #tpu.memory_space<hbm>>) target(%arg5 : memref<4x32xi32, #tpu.memory_space<vmem>>) target_semaphore(%run_scoped3A : memref<!tpu.dma_semaphore, #tpu.memory_space<semaphore_mem>>)
      %dma_wait3A_112 = arith.constant 0 : i32
      %dma_wait3A_113 = arith.constant 0 : i32
      %dma_wait3A_114 = tpu.memref_slice %arg3[%add3A, %dma_wait3A_112, %dma_wait3A_113] : memref<32x4x32xi32, #tpu.memory_space<hbm>> -> memref<1x4x32xi32, #tpu.memory_space<hbm>>
      %dma_wait3A_115 = tpu.memref_squeeze %dma_wait3A_114 : memref<1x4x32xi32, #tpu.memory_space<hbm>> -> memref<4x32xi32, #tpu.memory_space<hbm>>
      %dma_wait3A_116 = arith.constant 0 : i32
      %dma_wait3A_117 = arith.constant 0 : i32
      %dma_wait3A_118 = tpu.memref_slice %arg3[%add3A, %dma_wait3A_116, %dma_wait3A_117] : memref<32x4x32xi32, #tpu.memory_space<hbm>> -> memref<1x4x32xi32, #tpu.memory_space<hbm>>
      %dma_wait3A_119 = tpu.memref_squeeze %dma_wait3A_118 : memref<1x4x32xi32, #tpu.memory_space<hbm>> -> memref<4x32xi32, #tpu.memory_space<hbm>>
      tpu.wait_dma2 semaphore(%run_scoped3A : memref<!tpu.dma_semaphore, #tpu.memory_space<semaphore_mem>>) src(%dma_wait3A_119 : memref<4x32xi32, #tpu.memory_space<hbm>>) dst(%arg5 : memref<4x32xi32, #tpu.memory_space<vmem>>)
      tpu.yield
    }) : () -> ()
    %mul3A_1 = arith.constant 128 : i32
    %mul3A_2 = arith.muli %add3A, %mul3A_1 : i32
    %jit3A = arith.constant 2048 : i32
    %eq3A = arith.constant 0 : i32
    %eq3A_3 = arith.cmpi eq, %jit3A, %eq3A : i32
    %jit3A_4 = arith.constant 1 : i32
    %select_n3A = arith.select %eq3A_3, %jit3A_4, %jit3A : i32
    %rem3A = arith.remsi %mul3A_2, %select_n3A : i32
    %ne3A = arith.constant 0 : i32
    %ne3A_5 = arith.cmpi ne, %rem3A, %ne3A : i32
    %lt3A = arith.constant 0 : i32
    %lt3A_6 = arith.cmpi slt, %rem3A, %lt3A : i32
    %lt3A_7 = arith.constant 0 : i32
    %lt3A_8 = arith.cmpi slt, %select_n3A, %lt3A_7 : i32
    %ne3A_9 = arith.xori %lt3A_6, %lt3A_8 : i1
    %and3A = arith.andi %ne3A_9, %ne3A_5 : i1
    %add3A_10 = arith.addi %rem3A, %select_n3A : i32
    %select_n3A_11 = arith.select %and3A, %add3A_10, %rem3A : i32
    %dma_start3A = arith.constant 0 : i32
    %dma_start3A_12 = tpu.memref_slice %arg2[%select_n3A_11, %dma_start3A] : memref<2048x1024xf32, #tpu.memory_space<hbm>> -> memref<32x1024xf32, #tpu.memory_space<hbm>>
    %dma_start3A_13 = arith.constant 0 : i32
    %dma_start3A_14 = tpu.memref_slice %arg2[%select_n3A_11, %dma_start3A_13] : memref<2048x1024xf32, #tpu.memory_space<hbm>> -> memref<32x1024xf32, #tpu.memory_space<hbm>>
    tpu.enqueue_dma source(%dma_start3A_14 : memref<32x1024xf32, #tpu.memory_space<hbm>>) target(%arg6 : memref<32x1024xf32, #tpu.memory_space<vmem>>) target_semaphore(%arg8 : memref<!tpu.dma_semaphore, #tpu.memory_space<semaphore_mem>>)
    %add3A_15 = arith.constant 32 : i32
    %add3A_16 = arith.addi %select_n3A_11, %add3A_15 : i32
    %dma_start3A_17 = arith.constant 0 : i32
    %dma_start3A_18 = tpu.memref_slice %arg2[%add3A_16, %dma_start3A_17] : memref<2048x1024xf32, #tpu.memory_space<hbm>> -> memref<32x1024xf32, #tpu.memory_space<hbm>>
    %dma_start3A_19 = arith.constant 0 : i32
    %dma_start3A_20 = tpu.memref_slice %arg2[%add3A_16, %dma_start3A_19] : memref<2048x1024xf32, #tpu.memory_space<hbm>> -> memref<32x1024xf32, #tpu.memory_space<hbm>>
    tpu.enqueue_dma source(%dma_start3A_20 : memref<32x1024xf32, #tpu.memory_space<hbm>>) target(%arg7 : memref<32x1024xf32, #tpu.memory_space<vmem>>) target_semaphore(%arg9 : memref<!tpu.dma_semaphore, #tpu.memory_space<semaphore_mem>>)
    %dma_wait3A = arith.constant 0 : i32
    %dma_wait3A_21 = tpu.memref_slice %arg2[%select_n3A_11, %dma_wait3A] : memref<2048x1024xf32, #tpu.memory_space<hbm>> -> memref<32x1024xf32, #tpu.memory_space<hbm>>
    %dma_wait3A_22 = arith.constant 0 : i32
    %dma_wait3A_23 = tpu.memref_slice %arg2[%select_n3A_11, %dma_wait3A_22] : memref<2048x1024xf32, #tpu.memory_space<hbm>> -> memref<32x1024xf32, #tpu.memory_space<hbm>>
    tpu.wait_dma2 semaphore(%arg8 : memref<!tpu.dma_semaphore, #tpu.memory_space<semaphore_mem>>) src(%dma_wait3A_23 : memref<32x1024xf32, #tpu.memory_space<hbm>>) dst(%arg6 : memref<32x1024xf32, #tpu.memory_space<vmem>>)
    %dma_start3A_24 = arith.constant 0 : i32
    %dma_start3A_25 = arith.constant 0 : i32
    %dma_start3A_26 = tpu.memref_slice %arg5[%dma_start3A_24, %dma_start3A_25] : memref<4x32xi32, #tpu.memory_space<vmem>> -> memref<1x32xi32, #tpu.memory_space<vmem>>
    %dma_start3A_27 = tpu.memref_squeeze %dma_start3A_26 : memref<1x32xi32, #tpu.memory_space<vmem>> -> memref<32xi32, #tpu.memory_space<vmem>>
    %dma_start3A_28 = arith.constant 0 : i32
    %dma_start3A_29 = arith.constant 0 : i32
    %dma_start3A_30 = tpu.memref_slice %arg4[%dma_start3A_28, %dma_start3A_29] : memref<6240x1024xf32, #tpu.memory_space<hbm>> -> memref<6240x1024xf32, #tpu.memory_space<hbm>>
    tpu.enqueue_indirect_dma source(%arg6 : memref<32x1024xf32, #tpu.memory_space<vmem>>) target(%dma_start3A_30 : memref<6240x1024xf32, #tpu.memory_space<hbm>>) offsets(%dma_start3A_27 : memref<32xi32, #tpu.memory_space<vmem>>) semaphore(%arg10 : memref<!tpu.dma_semaphore, #tpu.memory_space<semaphore_mem>>)
    %dma_wait3A_31 = arith.constant 0 : i32
    %dma_wait3A_32 = arith.constant 0 : i32
    %dma_wait3A_33 = tpu.memref_slice %arg5[%dma_wait3A_31, %dma_wait3A_32] : memref<4x32xi32, #tpu.memory_space<vmem>> -> memref<1x32xi32, #tpu.memory_space<vmem>>
    %dma_wait3A_34 = tpu.memref_squeeze %dma_wait3A_33 : memref<1x32xi32, #tpu.memory_space<vmem>> -> memref<32xi32, #tpu.memory_space<vmem>>
    %dma_wait3A_35 = arith.constant 0 : i32
    %dma_wait3A_36 = arith.constant 0 : i32
    %dma_wait3A_37 = tpu.memref_slice %arg4[%dma_wait3A_35, %dma_wait3A_36] : memref<6240x1024xf32, #tpu.memory_space<hbm>> -> memref<6240x1024xf32, #tpu.memory_space<hbm>>
    tpu.wait_indirect_dma semaphore(%arg10 : memref<!tpu.dma_semaphore, #tpu.memory_space<semaphore_mem>>) src(%arg6 : memref<32x1024xf32, #tpu.memory_space<vmem>>) dst(%dma_wait3A_37 : memref<6240x1024xf32, #tpu.memory_space<hbm>>)
    %add3A_38 = arith.constant 64 : i32
    %add3A_39 = arith.addi %select_n3A_11, %add3A_38 : i32
    %dma_start3A_40 = arith.constant 0 : i32
    %dma_start3A_41 = tpu.memref_slice %arg2[%add3A_39, %dma_start3A_40] : memref<2048x1024xf32, #tpu.memory_space<hbm>> -> memref<32x1024xf32, #tpu.memory_space<hbm>>
    %dma_start3A_42 = arith.constant 0 : i32
    %dma_start3A_43 = tpu.memref_slice %arg2[%add3A_39, %dma_start3A_42] : memref<2048x1024xf32, #tpu.memory_space<hbm>> -> memref<32x1024xf32, #tpu.memory_space<hbm>>
    tpu.enqueue_dma source(%dma_start3A_43 : memref<32x1024xf32, #tpu.memory_space<hbm>>) target(%arg6 : memref<32x1024xf32, #tpu.memory_space<vmem>>) target_semaphore(%arg8 : memref<!tpu.dma_semaphore, #tpu.memory_space<semaphore_mem>>)
    %dma_wait3A_44 = arith.constant 0 : i32
    %dma_wait3A_45 = tpu.memref_slice %arg2[%add3A_16, %dma_wait3A_44] : memref<2048x1024xf32, #tpu.memory_space<hbm>> -> memref<32x1024xf32, #tpu.memory_space<hbm>>
    %dma_wait3A_46 = arith.constant 0 : i32
    %dma_wait3A_47 = tpu.memref_slice %arg2[%add3A_16, %dma_wait3A_46] : memref<2048x1024xf32, #tpu.memory_space<hbm>> -> memref<32x1024xf32, #tpu.memory_space<hbm>>
    tpu.wait_dma2 semaphore(%arg9 : memref<!tpu.dma_semaphore, #tpu.memory_space<semaphore_mem>>) src(%dma_wait3A_47 : memref<32x1024xf32, #tpu.memory_space<hbm>>) dst(%arg7 : memref<32x1024xf32, #tpu.memory_space<vmem>>)
    %dma_start3A_48 = arith.constant 1 : i32
    %dma_start3A_49 = arith.constant 0 : i32
    %dma_start3A_50 = tpu.memref_slice %arg5[%dma_start3A_48, %dma_start3A_49] : memref<4x32xi32, #tpu.memory_space<vmem>> -> memref<1x32xi32, #tpu.memory_space<vmem>>
    %dma_start3A_51 = tpu.memref_squeeze %dma_start3A_50 : memref<1x32xi32, #tpu.memory_space<vmem>> -> memref<32xi32, #tpu.memory_space<vmem>>
    %dma_start3A_52 = arith.constant 0 : i32
    %dma_start3A_53 = arith.constant 0 : i32
    %dma_start3A_54 = tpu.memref_slice %arg4[%dma_start3A_52, %dma_start3A_53] : memref<6240x1024xf32, #tpu.memory_space<hbm>> -> memref<6240x1024xf32, #tpu.memory_space<hbm>>
    tpu.enqueue_indirect_dma source(%arg7 : memref<32x1024xf32, #tpu.memory_space<vmem>>) target(%dma_start3A_54 : memref<6240x1024xf32, #tpu.memory_space<hbm>>) offsets(%dma_start3A_51 : memref<32xi32, #tpu.memory_space<vmem>>) semaphore(%arg11 : memref<!tpu.dma_semaphore, #tpu.memory_space<semaphore_mem>>)
    %dma_wait3A_55 = arith.constant 1 : i32
    %dma_wait3A_56 = arith.constant 0 : i32
    %dma_wait3A_57 = tpu.memref_slice %arg5[%dma_wait3A_55, %dma_wait3A_56] : memref<4x32xi32, #tpu.memory_space<vmem>> -> memref<1x32xi32, #tpu.memory_space<vmem>>
    %dma_wait3A_58 = tpu.memref_squeeze %dma_wait3A_57 : memref<1x32xi32, #tpu.memory_space<vmem>> -> memref<32xi32, #tpu.memory_space<vmem>>
    %dma_wait3A_59 = arith.constant 0 : i32
    %dma_wait3A_60 = arith.constant 0 : i32
    %dma_wait3A_61 = tpu.memref_slice %arg4[%dma_wait3A_59, %dma_wait3A_60] : memref<6240x1024xf32, #tpu.memory_space<hbm>> -> memref<6240x1024xf32, #tpu.memory_space<hbm>>
    tpu.wait_indirect_dma semaphore(%arg11 : memref<!tpu.dma_semaphore, #tpu.memory_space<semaphore_mem>>) src(%arg7 : memref<32x1024xf32, #tpu.memory_space<vmem>>) dst(%dma_wait3A_61 : memref<6240x1024xf32, #tpu.memory_space<hbm>>)
    %add3A_62 = arith.constant 96 : i32
    %add3A_63 = arith.addi %select_n3A_11, %add3A_62 : i32
    %dma_start3A_64 = arith.constant 0 : i32
    %dma_start3A_65 = tpu.memref_slice %arg2[%add3A_63, %dma_start3A_64] : memref<2048x1024xf32, #tpu.memory_space<hbm>> -> memref<32x1024xf32, #tpu.memory_space<hbm>>
    %dma_start3A_66 = arith.constant 0 : i32
    %dma_start3A_67 = tpu.memref_slice %arg2[%add3A_63, %dma_start3A_66] : memref<2048x1024xf32, #tpu.memory_space<hbm>> -> memref<32x1024xf32, #tpu.memory_space<hbm>>
    tpu.enqueue_dma source(%dma_start3A_67 : memref<32x1024xf32, #tpu.memory_space<hbm>>) target(%arg7 : memref<32x1024xf32, #tpu.memory_space<vmem>>) target_semaphore(%arg9 : memref<!tpu.dma_semaphore, #tpu.memory_space<semaphore_mem>>)
    %dma_wait3A_68 = arith.constant 0 : i32
    %dma_wait3A_69 = tpu.memref_slice %arg2[%add3A_39, %dma_wait3A_68] : memref<2048x1024xf32, #tpu.memory_space<hbm>> -> memref<32x1024xf32, #tpu.memory_space<hbm>>
    %dma_wait3A_70 = arith.constant 0 : i32
    %dma_wait3A_71 = tpu.memref_slice %arg2[%add3A_39, %dma_wait3A_70] : memref<2048x1024xf32, #tpu.memory_space<hbm>> -> memref<32x1024xf32, #tpu.memory_space<hbm>>
    tpu.wait_dma2 semaphore(%arg8 : memref<!tpu.dma_semaphore, #tpu.memory_space<semaphore_mem>>) src(%dma_wait3A_71 : memref<32x1024xf32, #tpu.memory_space<hbm>>) dst(%arg6 : memref<32x1024xf32, #tpu.memory_space<vmem>>)
    %dma_start3A_72 = arith.constant 2 : i32
    %dma_start3A_73 = arith.constant 0 : i32
    %dma_start3A_74 = tpu.memref_slice %arg5[%dma_start3A_72, %dma_start3A_73] : memref<4x32xi32, #tpu.memory_space<vmem>> -> memref<1x32xi32, #tpu.memory_space<vmem>>
    %dma_start3A_75 = tpu.memref_squeeze %dma_start3A_74 : memref<1x32xi32, #tpu.memory_space<vmem>> -> memref<32xi32, #tpu.memory_space<vmem>>
    %dma_start3A_76 = arith.constant 0 : i32
    %dma_start3A_77 = arith.constant 0 : i32
    %dma_start3A_78 = tpu.memref_slice %arg4[%dma_start3A_76, %dma_start3A_77] : memref<6240x1024xf32, #tpu.memory_space<hbm>> -> memref<6240x1024xf32, #tpu.memory_space<hbm>>
    tpu.enqueue_indirect_dma source(%arg6 : memref<32x1024xf32, #tpu.memory_space<vmem>>) target(%dma_start3A_78 : memref<6240x1024xf32, #tpu.memory_space<hbm>>) offsets(%dma_start3A_75 : memref<32xi32, #tpu.memory_space<vmem>>) semaphore(%arg10 : memref<!tpu.dma_semaphore, #tpu.memory_space<semaphore_mem>>)
    %dma_wait3A_79 = arith.constant 0 : i32
    %dma_wait3A_80 = tpu.memref_slice %arg2[%add3A_63, %dma_wait3A_79] : memref<2048x1024xf32, #tpu.memory_space<hbm>> -> memref<32x1024xf32, #tpu.memory_space<hbm>>
    %dma_wait3A_81 = arith.constant 0 : i32
    %dma_wait3A_82 = tpu.memref_slice %arg2[%add3A_63, %dma_wait3A_81] : memref<2048x1024xf32, #tpu.memory_space<hbm>> -> memref<32x1024xf32, #tpu.memory_space<hbm>>
    tpu.wait_dma2 semaphore(%arg9 : memref<!tpu.dma_semaphore, #tpu.memory_space<semaphore_mem>>) src(%dma_wait3A_82 : memref<32x1024xf32, #tpu.memory_space<hbm>>) dst(%arg7 : memref<32x1024xf32, #tpu.memory_space<vmem>>)
    %dma_start3A_83 = arith.constant 3 : i32
    %dma_start3A_84 = arith.constant 0 : i32
    %dma_start3A_85 = tpu.memref_slice %arg5[%dma_start3A_83, %dma_start3A_84] : memref<4x32xi32, #tpu.memory_space<vmem>> -> memref<1x32xi32, #tpu.memory_space<vmem>>
    %dma_start3A_86 = tpu.memref_squeeze %dma_start3A_85 : memref<1x32xi32, #tpu.memory_space<vmem>> -> memref<32xi32, #tpu.memory_space<vmem>>
    %dma_start3A_87 = arith.constant 0 : i32
    %dma_start3A_88 = arith.constant 0 : i32
    %dma_start3A_89 = tpu.memref_slice %arg4[%dma_start3A_87, %dma_start3A_88] : memref<6240x1024xf32, #tpu.memory_space<hbm>> -> memref<6240x1024xf32, #tpu.memory_space<hbm>>
    tpu.enqueue_indirect_dma source(%arg7 : memref<32x1024xf32, #tpu.memory_space<vmem>>) target(%dma_start3A_89 : memref<6240x1024xf32, #tpu.memory_space<hbm>>) offsets(%dma_start3A_86 : memref<32xi32, #tpu.memory_space<vmem>>) semaphore(%arg11 : memref<!tpu.dma_semaphore, #tpu.memory_space<semaphore_mem>>)
    %dma_wait3A_90 = arith.constant 3 : i32
    %dma_wait3A_91 = arith.constant 0 : i32
    %dma_wait3A_92 = tpu.memref_slice %arg5[%dma_wait3A_90, %dma_wait3A_91] : memref<4x32xi32, #tpu.memory_space<vmem>> -> memref<1x32xi32, #tpu.memory_space<vmem>>
    %dma_wait3A_93 = tpu.memref_squeeze %dma_wait3A_92 : memref<1x32xi32, #tpu.memory_space<vmem>> -> memref<32xi32, #tpu.memory_space<vmem>>
    %dma_wait3A_94 = arith.constant 0 : i32
    %dma_wait3A_95 = arith.constant 0 : i32
    %dma_wait3A_96 = tpu.memref_slice %arg4[%dma_wait3A_94, %dma_wait3A_95] : memref<6240x1024xf32, #tpu.memory_space<hbm>> -> memref<6240x1024xf32, #tpu.memory_space<hbm>>
    tpu.wait_indirect_dma semaphore(%arg11 : memref<!tpu.dma_semaphore, #tpu.memory_space<semaphore_mem>>) src(%arg7 : memref<32x1024xf32, #tpu.memory_space<vmem>>) dst(%dma_wait3A_96 : memref<6240x1024xf32, #tpu.memory_space<hbm>>)
    %dma_wait3A_97 = arith.constant 2 : i32
    %dma_wait3A_98 = arith.constant 0 : i32
    %dma_wait3A_99 = tpu.memref_slice %arg5[%dma_wait3A_97, %dma_wait3A_98] : memref<4x32xi32, #tpu.memory_space<vmem>> -> memref<1x32xi32, #tpu.memory_space<vmem>>
    %dma_wait3A_100 = tpu.memref_squeeze %dma_wait3A_99 : memref<1x32xi32, #tpu.memory_space<vmem>> -> memref<32xi32, #tpu.memory_space<vmem>>
    %dma_wait3A_101 = arith.constant 0 : i32
    %dma_wait3A_102 = arith.constant 0 : i32
    %dma_wait3A_103 = tpu.memref_slice %arg4[%dma_wait3A_101, %dma_wait3A_102] : memref<6240x1024xf32, #tpu.memory_space<hbm>> -> memref<6240x1024xf32, #tpu.memory_space<hbm>>
    tpu.wait_indirect_dma semaphore(%arg10 : memref<!tpu.dma_semaphore, #tpu.memory_space<semaphore_mem>>) src(%arg6 : memref<32x1024xf32, #tpu.memory_space<vmem>>) dst(%dma_wait3A_103 : memref<6240x1024xf32, #tpu.memory_space<hbm>>)
    return
  }
}

module attributes {stable_mosaic.version = 14 : i64} {
  func.func @_stage_a_body(%arg0: i32, %arg1: memref<128x1024xf32, #tpu.memory_space<vmem>>, %arg2: memref<1024x1024xf32, #tpu.memory_space<vmem>>, %arg3: memref<1x1024xf32, #tpu.memory_space<vmem>>, %arg4: memref<1024x64xf32, #tpu.memory_space<vmem>>, %arg5: memref<128x1024xf32, #tpu.memory_space<vmem>>, %arg6: memref<128x2xf32, #tpu.memory_space<vmem>>, %arg7: memref<128x2xi32, #tpu.memory_space<vmem>>, %arg8: memref<128x2xi32, #tpu.memory_space<vmem>>, %arg9: memref<1x64xf32, #tpu.memory_space<vmem>>) attributes {dimension_semantics = [#tpu.dimension_semantics<arbitrary>], iteration_bounds = array<i64: 16>, scalar_prefetch = 0 : i64, scratch_operands = 1 : i64, tpu.core_type = #tpu.core_type<tc>, window_params = [{transform_indices = @transform_0, window_bounds = array<i64: 128, 1024>}, {pipeline_mode = #tpu.pipeline_mode<synchronous>, transform_indices = @transform_1, window_bounds = array<i64: 1024, 1024>}, {pipeline_mode = #tpu.pipeline_mode<synchronous>, transform_indices = @transform_2, window_bounds = array<i64: 1, 1024>}, {pipeline_mode = #tpu.pipeline_mode<synchronous>, transform_indices = @transform_3, window_bounds = array<i64: 1024, 64>}, {transform_indices = @transform_4, window_bounds = array<i64: 128, 1024>}, {transform_indices = @transform_5, window_bounds = array<i64: 128, 2>}, {transform_indices = @transform_6, window_bounds = array<i64: 128, 2>}, {transform_indices = @transform_7, window_bounds = array<i64: 128, 2>}]} {
    %eq3A = arith.constant 0 : i32
    %eq3A_0 = arith.cmpi eq, %arg0, %eq3A : i32
    %convert_element_type3A = arith.extui %eq3A_0 : i1 to i32
    %cond3A = arith.constant 0 : i32
    %cond3A_1 = arith.cmpi ne, %convert_element_type3A, %cond3A : i32
    scf.if %cond3A_1 {
      %broadcast_in_dim3A_153 = arith.constant 0.000000e+00 : f32
      %broadcast_in_dim3A_154 = vector.broadcast %broadcast_in_dim3A_153 : f32 to vector<1x64xf32>
      %swap3A_155 = arith.constant 0 : index
      %swap3A_156 = arith.constant 0 : index
      %swap3A_157 = vector.load %arg9[%swap3A_155, %swap3A_156] : memref<1x64xf32, #tpu.memory_space<vmem>>, vector<1x64xf32>
      tpu.vector_store %arg9[%swap3A_155, %swap3A_156], %broadcast_in_dim3A_154 {strides = array<i32>} : memref<1x64xf32, #tpu.memory_space<vmem>>, vector<1x64xf32>,
    } else {
    }
    %get3A = arith.constant 0 : index
    %get3A_2 = arith.constant 0 : index
    %get3A_3 = vector.load %arg1[%get3A, %get3A_2] : memref<128x1024xf32, #tpu.memory_space<vmem>>, vector<128x1024xf32>
    %get3A_4 = arith.constant 0 : index
    %get3A_5 = arith.constant 0 : index
    %get3A_6 = vector.load %arg2[%get3A_4, %get3A_5] : memref<1024x1024xf32, #tpu.memory_space<vmem>>, vector<1024x1024xf32>
    %dot_general3A = arith.constant dense<0.000000e+00> : vector<128x1024xf32>
    %dot_general3A_7 = tpu.matmul %get3A_3, %get3A_6, %dot_general3A {dimension_numbers = #tpu.dot_dimension_numbers<[1], [0], [0], [1], [0, 0, 1, 1], [], []>, transpose_lhs_hint = false} : vector<128x1024xf32>, vector<1024x1024xf32>, vector<128x1024xf32> -> vector<128x1024xf32>
    %get3A_8 = arith.constant 0 : index
    %get3A_9 = arith.constant 0 : index
    %get3A_10 = vector.load %arg3[%get3A_8, %get3A_9] : memref<1x1024xf32, #tpu.memory_space<vmem>>, vector<1x1024xf32>
    %add3A = vector.broadcast %get3A_10 : vector<1x1024xf32> to vector<128x1024xf32>
    %add3A_11 = arith.addf %dot_general3A_7, %add3A : vector<128x1024xf32>
    %swap3A = arith.constant 0 : index
    %swap3A_12 = arith.constant 0 : index
    %swap3A_13 = vector.load %arg5[%swap3A, %swap3A_12] : memref<128x1024xf32, #tpu.memory_space<vmem>>, vector<128x1024xf32>
    tpu.vector_store %arg5[%swap3A, %swap3A_12], %add3A_11 {strides = array<i32>} : memref<128x1024xf32, #tpu.memory_space<vmem>>, vector<128x1024xf32>,
    %get3A_14 = arith.constant 0 : index
    %get3A_15 = arith.constant 0 : index
    %get3A_16 = vector.load %arg4[%get3A_14, %get3A_15] : memref<1024x64xf32, #tpu.memory_space<vmem>>, vector<1024x64xf32>
    %dot_general3A_17 = arith.constant dense<0.000000e+00> : vector<128x64xf32>
    %dot_general3A_18 = tpu.matmul %add3A_11, %get3A_16, %dot_general3A_17 {dimension_numbers = #tpu.dot_dimension_numbers<[1], [0], [0], [1], [0, 0, 1, 1], [], []>, transpose_lhs_hint = false} : vector<128x1024xf32>, vector<1024x64xf32>, vector<128x64xf32> -> vector<128x64xf32>
    %iota3A = tpu.iota {dimensions = array<i32: 1>} : vector<128x64xi32>
    %convert_element_type3A_19 = arith.sitofp %iota3A : vector<128x64xi32> to vector<128x64xf32>
    %reduce_max3A = arith.constant dense<0xFF800000> : vector<128xf32>
    %reduce_max3A_20 = vector.multi_reduction <maximumf>, %dot_general3A_18, %reduce_max3A [1] : vector<128x64xf32> to vector<128xf32>
    %broadcast_in_dim3A = vector.shape_cast %reduce_max3A_20 : vector<128xf32> to vector<128x1xf32>
    %eq3A_21 = vector.broadcast %broadcast_in_dim3A : vector<128x1xf32> to vector<128x64xf32>
    %eq3A_22 = arith.cmpf oeq, %dot_general3A_18, %eq3A_21 : vector<128x64xf32>
    %jit3A = arith.constant 1.000000e+09 : f32
    %broadcast_in_dim3A_23 = vector.broadcast %jit3A : f32 to vector<128x64xf32>
    %select_n3A = arith.select %eq3A_22, %convert_element_type3A_19, %broadcast_in_dim3A_23 : vector<128x64xi1>, vector<128x64xf32>
    %reduce_min3A = arith.constant dense<0x7F800000> : vector<128xf32>
    %reduce_min3A_24 = vector.multi_reduction <minimumf>, %select_n3A, %reduce_min3A [1] : vector<128x64xf32> to vector<128xf32>
    %broadcast_in_dim3A_25 = vector.shape_cast %reduce_min3A_24 : vector<128xf32> to vector<128x1xf32>
    %eq3A_26 = vector.broadcast %broadcast_in_dim3A_25 : vector<128x1xf32> to vector<128x64xf32>
    %eq3A_27 = arith.cmpf oeq, %convert_element_type3A_19, %eq3A_26 : vector<128x64xf32>
    %jit3A_28 = arith.constant -1.000000e+30 : f32
    %broadcast_in_dim3A_29 = vector.broadcast %jit3A_28 : f32 to vector<128x64xf32>
    %select_n3A_30 = arith.select %eq3A_27, %broadcast_in_dim3A_29, %dot_general3A_18 : vector<128x64xi1>, vector<128x64xf32>
    %reduce_max3A_31 = arith.constant dense<0xFF800000> : vector<128xf32>
    %reduce_max3A_32 = vector.multi_reduction <maximumf>, %select_n3A_30, %reduce_max3A_31 [1] : vector<128x64xf32> to vector<128xf32>
    %broadcast_in_dim3A_33 = vector.shape_cast %reduce_max3A_32 : vector<128xf32> to vector<128x1xf32>
    %eq3A_34 = vector.broadcast %broadcast_in_dim3A_33 : vector<128x1xf32> to vector<128x64xf32>
    %eq3A_35 = arith.cmpf oeq, %select_n3A_30, %eq3A_34 : vector<128x64xf32>
    %jit3A_36 = arith.constant 1.000000e+09 : f32
    %broadcast_in_dim3A_37 = vector.broadcast %jit3A_36 : f32 to vector<128x64xf32>
    %select_n3A_38 = arith.select %eq3A_35, %convert_element_type3A_19, %broadcast_in_dim3A_37 : vector<128x64xi1>, vector<128x64xf32>
    %reduce_min3A_39 = arith.constant dense<0x7F800000> : vector<128xf32>
    %reduce_min3A_40 = vector.multi_reduction <minimumf>, %select_n3A_38, %reduce_min3A_39 [1] : vector<128x64xf32> to vector<128xf32>
    %broadcast_in_dim3A_41 = vector.shape_cast %reduce_min3A_40 : vector<128xf32> to vector<128x1xf32>
    %eq3A_42 = vector.broadcast %broadcast_in_dim3A_41 : vector<128x1xf32> to vector<128x64xf32>
    %eq3A_43 = arith.cmpf oeq, %convert_element_type3A_19, %eq3A_42 : vector<128x64xf32>
    %sub3A = arith.subf %broadcast_in_dim3A_33, %broadcast_in_dim3A : vector<128x1xf32>
    %exp3A = math.exp %sub3A : vector<128x1xf32>
    %add3A_44 = arith.constant 1.000000e+00 : f32
    %add3A_45 = vector.broadcast %add3A_44 : f32 to vector<128x1xf32>
    %add3A_46 = arith.addf %add3A_45, %exp3A : vector<128x1xf32>
    %div3A = arith.constant 1.000000e+00 : f32
    %div3A_47 = vector.broadcast %div3A : f32 to vector<128x1xf32>
    %div3A_48 = arith.divf %div3A_47, %add3A_46 : vector<128x1xf32>
    %sub3A_49 = arith.subf %broadcast_in_dim3A, %broadcast_in_dim3A_33 : vector<128x1xf32>
    %exp3A_50 = math.exp %sub3A_49 : vector<128x1xf32>
    %add3A_51 = arith.constant 1.000000e+00 : f32
    %add3A_52 = vector.broadcast %add3A_51 : f32 to vector<128x1xf32>
    %add3A_53 = arith.addf %add3A_52, %exp3A_50 : vector<128x1xf32>
    %div3A_54 = arith.constant 1.000000e+00 : f32
    %div3A_55 = vector.broadcast %div3A_54 : f32 to vector<128x1xf32>
    %div3A_56 = arith.divf %div3A_55, %add3A_53 : vector<128x1xf32>
    %convert_element_type3A_57 = arith.extui %eq3A_27 : vector<128x64xi1> to vector<128x64xi32>
    %convert_element_type3A_58 = arith.sitofp %convert_element_type3A_57 : vector<128x64xi32> to vector<128x64xf32>
    %convert_element_type3A_59 = arith.extui %eq3A_43 : vector<128x64xi1> to vector<128x64xi32>
    %convert_element_type3A_60 = arith.sitofp %convert_element_type3A_59 : vector<128x64xi32> to vector<128x64xf32>
    %add3A_61 = arith.addf %convert_element_type3A_58, %convert_element_type3A_60 : vector<128x64xf32>
    %iota3A_62 = tpu.iota {dimensions = array<i32: 0>} : vector<128x128xi32>
    %iota3A_63 = tpu.iota {dimensions = array<i32: 1>} : vector<128x128xi32>
    %gt3A = arith.cmpi sgt, %iota3A_62, %iota3A_63 : vector<128x128xi32>
    %convert_element_type3A_64 = arith.extui %gt3A : vector<128x128xi1> to vector<128x128xi32>
    %convert_element_type3A_65 = arith.sitofp %convert_element_type3A_64 : vector<128x128xi32> to vector<128x128xf32>
    %convert_element_type3A_66 = arith.truncf %convert_element_type3A_65 : vector<128x128xf32> to vector<128x128xbf16>
    %convert_element_type3A_67 = arith.truncf %add3A_61 : vector<128x64xf32> to vector<128x64xbf16>
    %dot_general3A_68 = arith.constant dense<0.000000e+00> : vector<128x64xf32>
    %dot_general3A_69 = tpu.matmul %convert_element_type3A_66, %convert_element_type3A_67, %dot_general3A_68 {dimension_numbers = #tpu.dot_dimension_numbers<[1], [0], [0], [1], [0, 0, 1, 1], [], []>, transpose_lhs_hint = false} : vector<128x128xbf16>, vector<128x64xbf16>, vector<128x64xf32> -> vector<128x64xf32>
    %get3A_70 = arith.constant 0 : index
    %get3A_71 = arith.constant 0 : index
    %get3A_72 = vector.load %arg9[%get3A_70, %get3A_71] : memref<1x64xf32, #tpu.memory_space<vmem>>, vector<1x64xf32>
    %add3A_73 = vector.broadcast %get3A_72 : vector<1x64xf32> to vector<128x64xf32>
    %add3A_74 = arith.addf %add3A_73, %dot_general3A_69 : vector<128x64xf32>
    %jit3A_75 = arith.constant 0.000000e+00 : f32
    %broadcast_in_dim3A_76 = vector.broadcast %jit3A_75 : f32 to vector<128x64xf32>
    %select_n3A_77 = arith.select %eq3A_27, %add3A_74, %broadcast_in_dim3A_76 : vector<128x64xi1>, vector<128x64xf32>
    %reduce_sum3A = arith.constant dense<0.000000e+00> : vector<128xf32>
    %reduce_sum3A_78 = vector.multi_reduction <add>, %select_n3A_77, %reduce_sum3A [1] : vector<128x64xf32> to vector<128xf32>
    %broadcast_in_dim3A_79 = vector.shape_cast %reduce_sum3A_78 : vector<128xf32> to vector<128x1xf32>
    %jit3A_80 = arith.constant 0.000000e+00 : f32
    %broadcast_in_dim3A_81 = vector.broadcast %jit3A_80 : f32 to vector<128x64xf32>
    %select_n3A_82 = arith.select %eq3A_43, %add3A_74, %broadcast_in_dim3A_81 : vector<128x64xi1>, vector<128x64xf32>
    %reduce_sum3A_83 = arith.constant dense<0.000000e+00> : vector<128xf32>
    %reduce_sum3A_84 = vector.multi_reduction <add>, %select_n3A_82, %reduce_sum3A_83 [1] : vector<128x64xf32> to vector<128xf32>
    %broadcast_in_dim3A_85 = vector.shape_cast %reduce_sum3A_84 : vector<128xf32> to vector<128x1xf32>
    %get3A_86 = arith.constant 0 : index
    %get3A_87 = arith.constant 0 : index
    %get3A_88 = vector.load %arg9[%get3A_86, %get3A_87] : memref<1x64xf32, #tpu.memory_space<vmem>>, vector<1x64xf32>
    %reduce_sum3A_89 = arith.constant dense<0.000000e+00> : vector<64xf32>
    %reduce_sum3A_90 = vector.multi_reduction <add>, %add3A_61, %reduce_sum3A_89 [0] : vector<128x64xf32> to vector<64xf32>
    %broadcast_in_dim3A_91 = vector.shape_cast %reduce_sum3A_90 : vector<64xf32> to vector<1x64xf32>
    %add3A_92 = arith.addf %get3A_88, %broadcast_in_dim3A_91 : vector<1x64xf32>
    %swap3A_93 = arith.constant 0 : index
    %swap3A_94 = arith.constant 0 : index
    %swap3A_95 = vector.load %arg9[%swap3A_93, %swap3A_94] : memref<1x64xf32, #tpu.memory_space<vmem>>, vector<1x64xf32>
    tpu.vector_store %arg9[%swap3A_93, %swap3A_94], %add3A_92 {strides = array<i32>} : memref<1x64xf32, #tpu.memory_space<vmem>>, vector<1x64xf32>,
    %lt3A = arith.constant 9.600000e+01 : f32
    %lt3A_96 = vector.broadcast %lt3A : f32 to vector<128x1xf32>
    %lt3A_97 = arith.cmpf olt, %broadcast_in_dim3A_79, %lt3A_96 : vector<128x1xf32>
    %lt3A_98 = arith.constant 9.600000e+01 : f32
    %lt3A_99 = vector.broadcast %lt3A_98 : f32 to vector<128x1xf32>
    %lt3A_100 = arith.cmpf olt, %broadcast_in_dim3A_85, %lt3A_99 : vector<128x1xf32>
    %convert_element_type3A_101 = arith.fptosi %broadcast_in_dim3A_25 : vector<128x1xf32> to vector<128x1xi32>
    %convert_element_type3A_102 = arith.fptosi %broadcast_in_dim3A_41 : vector<128x1xf32> to vector<128x1xi32>
    %convert_element_type3A_103 = arith.fptosi %broadcast_in_dim3A_79 : vector<128x1xf32> to vector<128x1xi32>
    %jit3A_104 = arith.constant 0 : i32
    %jit3A_105 = arith.constant 95 : i32
    %max3A = vector.broadcast %jit3A_104 : i32 to vector<128x1xi32>
    %max3A_106 = arith.maxsi %max3A, %convert_element_type3A_103 : vector<128x1xi32>
    %min3A = vector.broadcast %jit3A_105 : i32 to vector<128x1xi32>
    %min3A_107 = arith.minsi %min3A, %max3A_106 : vector<128x1xi32>
    %convert_element_type3A_108 = arith.fptosi %broadcast_in_dim3A_85 : vector<128x1xf32> to vector<128x1xi32>
    %jit3A_109 = arith.constant 0 : i32
    %jit3A_110 = arith.constant 95 : i32
    %max3A_111 = vector.broadcast %jit3A_109 : i32 to vector<128x1xi32>
    %max3A_112 = arith.maxsi %max3A_111, %convert_element_type3A_108 : vector<128x1xi32>
    %min3A_113 = vector.broadcast %jit3A_110 : i32 to vector<128x1xi32>
    %min3A_114 = arith.minsi %min3A_113, %max3A_112 : vector<128x1xi32>
    %mul3A = arith.constant 96 : i32
    %mul3A_115 = vector.broadcast %mul3A : i32 to vector<128x1xi32>
    %mul3A_116 = arith.muli %convert_element_type3A_101, %mul3A_115 : vector<128x1xi32>
    %add3A_117 = arith.addi %mul3A_116, %min3A_107 : vector<128x1xi32>
    %mul3A_118 = arith.constant 96 : i32
    %mul3A_119 = vector.broadcast %mul3A_118 : i32 to vector<128x1xi32>
    %mul3A_120 = arith.muli %convert_element_type3A_102, %mul3A_119 : vector<128x1xi32>
    %add3A_121 = arith.addi %mul3A_120, %min3A_114 : vector<128x1xi32>
    %add3A_122 = arith.constant 6144 : i32
    %add3A_123 = vector.broadcast %add3A_122 : i32 to vector<128x1xi32>
    %add3A_124 = arith.addi %add3A_123, %convert_element_type3A_101 : vector<128x1xi32>
    %select_n3A_125 = arith.select %lt3A_97, %add3A_117, %add3A_124 : vector<128x1xi1>, vector<128x1xi32>
    %add3A_126 = arith.constant 6144 : i32
    %add3A_127 = vector.broadcast %add3A_126 : i32 to vector<128x1xi32>
    %add3A_128 = arith.addi %add3A_127, %convert_element_type3A_102 : vector<128x1xi32>
    %select_n3A_129 = arith.select %lt3A_100, %add3A_121, %add3A_128 : vector<128x1xi1>, vector<128x1xi32>
    %jit3A_130 = arith.constant 0 : i32
    %broadcast_in_dim3A_131 = vector.broadcast %jit3A_130 : i32 to vector<128x1xi32>
    %select_n3A_132 = arith.select %lt3A_97, %add3A_117, %broadcast_in_dim3A_131 : vector<128x1xi1>, vector<128x1xi32>
    %jit3A_133 = arith.constant 0 : i32
    %broadcast_in_dim3A_134 = vector.broadcast %jit3A_133 : i32 to vector<128x1xi32>
    %select_n3A_135 = arith.select %lt3A_100, %add3A_121, %broadcast_in_dim3A_134 : vector<128x1xi1>, vector<128x1xi32>
    %jit3A_136 = arith.constant 0.000000e+00 : f32
    %broadcast_in_dim3A_137 = vector.broadcast %jit3A_136 : f32 to vector<128x1xf32>
    %select_n3A_138 = arith.select %lt3A_97, %div3A_48, %broadcast_in_dim3A_137 : vector<128x1xi1>, vector<128x1xf32>
    %jit3A_139 = arith.constant 0.000000e+00 : f32
    %broadcast_in_dim3A_140 = vector.broadcast %jit3A_139 : f32 to vector<128x1xf32>
    %select_n3A_141 = arith.select %lt3A_100, %div3A_56, %broadcast_in_dim3A_140 : vector<128x1xi1>, vector<128x1xf32>
    %concatenate3A = tpu.concatenate %select_n3A_138, %select_n3A_141 in 1 : vector<128x1xf32>, vector<128x1xf32> -> vector<128x2xf32>
    %swap3A_142 = arith.constant 0 : index
    %swap3A_143 = arith.constant 0 : index
    %swap3A_144 = vector.load %arg6[%swap3A_142, %swap3A_143] : memref<128x2xf32, #tpu.memory_space<vmem>>, vector<128x2xf32>
    tpu.vector_store %arg6[%swap3A_142, %swap3A_143], %concatenate3A {strides = array<i32>} : memref<128x2xf32, #tpu.memory_space<vmem>>, vector<128x2xf32>,
    %concatenate3A_145 = tpu.concatenate %select_n3A_125, %select_n3A_129 in 1 : vector<128x1xi32>, vector<128x1xi32> -> vector<128x2xi32>
    %swap3A_146 = arith.constant 0 : index
    %swap3A_147 = arith.constant 0 : index
    %swap3A_148 = vector.load %arg7[%swap3A_146, %swap3A_147] : memref<128x2xi32, #tpu.memory_space<vmem>>, vector<128x2xi32>
    tpu.vector_store %arg7[%swap3A_146, %swap3A_147], %concatenate3A_145 {strides = array<i32>} : memref<128x2xi32, #tpu.memory_space<vmem>>, vector<128x2xi32>,
    %concatenate3A_149 = tpu.concatenate %select_n3A_132, %select_n3A_135 in 1 : vector<128x1xi32>, vector<128x1xi32> -> vector<128x2xi32>
    %swap3A_150 = arith.constant 0 : index
    %swap3A_151 = arith.constant 0 : index
    %swap3A_152 = vector.load %arg8[%swap3A_150, %swap3A_151] : memref<128x2xi32, #tpu.memory_space<vmem>>, vector<128x2xi32>
    tpu.vector_store %arg8[%swap3A_150, %swap3A_151], %concatenate3A_149 {strides = array<i32>} : memref<128x2xi32, #tpu.memory_space<vmem>>, vector<128x2xi32>,
    return
  }
  func.func @transform_0(%arg0: i32) -> (i32, i32) {
    %c0_i32 = arith.constant 0 : i32
    %c0_i32_0 = arith.constant 0 : i32
    return %arg0, %c0_i32 : i32, i32
  }
  func.func @transform_1(%arg0: i32) -> (i32, i32) {
    %c0_i32 = arith.constant 0 : i32
    %c0_i32_0 = arith.constant 0 : i32
    %c0_i32_1 = arith.constant 0 : i32
    return %c0_i32, %c0_i32_0 : i32, i32
  }
  func.func @transform_2(%arg0: i32) -> (i32, i32) {
    %c0_i32 = arith.constant 0 : i32
    %c0_i32_0 = arith.constant 0 : i32
    %c0_i32_1 = arith.constant 0 : i32
    return %c0_i32, %c0_i32_0 : i32, i32
  }
  func.func @transform_3(%arg0: i32) -> (i32, i32) {
    %c0_i32 = arith.constant 0 : i32
    %c0_i32_0 = arith.constant 0 : i32
    %c0_i32_1 = arith.constant 0 : i32
    return %c0_i32, %c0_i32_0 : i32, i32
  }
  func.func @transform_4(%arg0: i32) -> (i32, i32) {
    %c0_i32 = arith.constant 0 : i32
    %c0_i32_0 = arith.constant 0 : i32
    return %arg0, %c0_i32 : i32, i32
  }
  func.func @transform_5(%arg0: i32) -> (i32, i32) {
    %c0_i32 = arith.constant 0 : i32
    %c0_i32_0 = arith.constant 0 : i32
    return %arg0, %c0_i32 : i32, i32
  }
  func.func @transform_6(%arg0: i32) -> (i32, i32) {
    %c0_i32 = arith.constant 0 : i32
    %c0_i32_0 = arith.constant 0 : i32
    return %arg0, %c0_i32 : i32, i32
  }
  func.func @transform_7(%arg0: i32) -> (i32, i32) {
    %c0_i32 = arith.constant 0 : i32
    %c0_i32_0 = arith.constant 0 : i32
    return %arg0, %c0_i32 : i32, i32
  }
}

module attributes {stable_mosaic.version = 14 : i64} {
  func.func @_stage_d_body(%arg0: i32, %arg1: memref<192x1024xf32, #tpu.memory_space<vmem>>, %arg2: memref<2x1024x512xf32, #tpu.memory_space<vmem>>, %arg3: memref<2x1x512xf32, #tpu.memory_space<vmem>>, %arg4: memref<2x512x1024xf32, #tpu.memory_space<vmem>>, %arg5: memref<2x1x1024xf32, #tpu.memory_space<vmem>>, %arg6: memref<192x1024xf32, #tpu.memory_space<vmem>>) attributes {dimension_semantics = [#tpu.dimension_semantics<arbitrary>], iteration_bounds = array<i64: 32>, scalar_prefetch = 0 : i64, scratch_operands = 0 : i64, tpu.core_type = #tpu.core_type<tc>, window_params = [{transform_indices = @transform_0, window_bounds = array<i64: 192, 1024>}, {transform_indices = @transform_1, window_bounds = array<i64: 2, 1024, 512>}, {transform_indices = @transform_2, window_bounds = array<i64: 2, 1, 512>}, {transform_indices = @transform_3, window_bounds = array<i64: 2, 512, 1024>}, {transform_indices = @transform_4, window_bounds = array<i64: 2, 1, 1024>}, {transform_indices = @transform_5, window_bounds = array<i64: 192, 1024>}]} {
    %get3A = arith.constant 0 : index
    %get3A_0 = arith.constant 0 : index
    %get3A_1 = vector.load %arg1[%get3A, %get3A_0] : memref<192x1024xf32, #tpu.memory_space<vmem>>, vector<96x1024xf32>
    %get3A_2 = arith.constant 0 : index
    %get3A_3 = arith.constant 0 : index
    %get3A_4 = arith.constant 0 : index
    %get3A_5 = vector.load %arg2[%get3A_2, %get3A_3, %get3A_4] : memref<2x1024x512xf32, #tpu.memory_space<vmem>>, vector<1x1024x512xf32>
    %get3A_6 = vector.shape_cast %get3A_5 : vector<1x1024x512xf32> to vector<1024x512xf32>
    %dot_general3A = arith.constant dense<0.000000e+00> : vector<96x512xf32>
    %dot_general3A_7 = tpu.matmul %get3A_1, %get3A_6, %dot_general3A {dimension_numbers = #tpu.dot_dimension_numbers<[1], [0], [0], [1], [0, 0, 1, 1], [], []>, transpose_lhs_hint = false} : vector<96x1024xf32>, vector<1024x512xf32>, vector<96x512xf32> -> vector<96x512xf32>
    %get3A_8 = arith.constant 0 : index
    %get3A_9 = arith.constant 0 : index
    %get3A_10 = arith.constant 0 : index
    %get3A_11 = vector.load %arg3[%get3A_8, %get3A_9, %get3A_10] : memref<2x1x512xf32, #tpu.memory_space<vmem>>, vector<1x1x512xf32>
    %get3A_12 = vector.shape_cast %get3A_11 : vector<1x1x512xf32> to vector<1x512xf32>
    %add3A = vector.broadcast %get3A_12 : vector<1x512xf32> to vector<96x512xf32>
    %add3A_13 = arith.addf %dot_general3A_7, %add3A : vector<96x512xf32>
    %logistic3A = arith.negf %add3A_13 : vector<96x512xf32>
    %logistic3A_14 = math.exp %logistic3A : vector<96x512xf32>
    %logistic3A_15 = arith.constant 1.000000e+00 : f32
    %logistic3A_16 = vector.broadcast %logistic3A_15 : f32 to vector<96x512xf32>
    %logistic3A_17 = arith.addf %logistic3A_16, %logistic3A_14 : vector<96x512xf32>
    %logistic3A_18 = arith.divf %logistic3A_16, %logistic3A_17 : vector<96x512xf32>
    %mul3A = arith.mulf %add3A_13, %logistic3A_18 : vector<96x512xf32>
    %get3A_19 = arith.constant 0 : index
    %get3A_20 = arith.constant 0 : index
    %get3A_21 = arith.constant 0 : index
    %get3A_22 = vector.load %arg4[%get3A_19, %get3A_20, %get3A_21] : memref<2x512x1024xf32, #tpu.memory_space<vmem>>, vector<1x512x1024xf32>
    %get3A_23 = vector.shape_cast %get3A_22 : vector<1x512x1024xf32> to vector<512x1024xf32>
    %dot_general3A_24 = arith.constant dense<0.000000e+00> : vector<96x1024xf32>
    %dot_general3A_25 = tpu.matmul %mul3A, %get3A_23, %dot_general3A_24 {dimension_numbers = #tpu.dot_dimension_numbers<[1], [0], [0], [1], [0, 0, 1, 1], [], []>, transpose_lhs_hint = false} : vector<96x512xf32>, vector<512x1024xf32>, vector<96x1024xf32> -> vector<96x1024xf32>
    %get3A_26 = arith.constant 0 : index
    %get3A_27 = arith.constant 0 : index
    %get3A_28 = arith.constant 0 : index
    %get3A_29 = vector.load %arg5[%get3A_26, %get3A_27, %get3A_28] : memref<2x1x1024xf32, #tpu.memory_space<vmem>>, vector<1x1x1024xf32>
    %get3A_30 = vector.shape_cast %get3A_29 : vector<1x1x1024xf32> to vector<1x1024xf32>
    %add3A_31 = vector.broadcast %get3A_30 : vector<1x1024xf32> to vector<96x1024xf32>
    %add3A_32 = arith.addf %dot_general3A_25, %add3A_31 : vector<96x1024xf32>
    %swap3A = arith.constant 0 : index
    %swap3A_33 = arith.constant 0 : index
    %swap3A_34 = vector.load %arg6[%swap3A, %swap3A_33] : memref<192x1024xf32, #tpu.memory_space<vmem>>, vector<96x1024xf32>
    tpu.vector_store %arg6[%swap3A, %swap3A_33], %add3A_32 {strides = array<i32>} : memref<192x1024xf32, #tpu.memory_space<vmem>>, vector<96x1024xf32>,
    %get3A_35 = arith.constant 96 : index
    %get3A_36 = arith.constant 0 : index
    %get3A_37 = vector.load %arg1[%get3A_35, %get3A_36] : memref<192x1024xf32, #tpu.memory_space<vmem>>, vector<96x1024xf32>
    %get3A_38 = arith.constant 1 : index
    %get3A_39 = arith.constant 0 : index
    %get3A_40 = arith.constant 0 : index
    %get3A_41 = vector.load %arg2[%get3A_38, %get3A_39, %get3A_40] : memref<2x1024x512xf32, #tpu.memory_space<vmem>>, vector<1x1024x512xf32>
    %get3A_42 = vector.shape_cast %get3A_41 : vector<1x1024x512xf32> to vector<1024x512xf32>
    %dot_general3A_43 = arith.constant dense<0.000000e+00> : vector<96x512xf32>
    %dot_general3A_44 = tpu.matmul %get3A_37, %get3A_42, %dot_general3A_43 {dimension_numbers = #tpu.dot_dimension_numbers<[1], [0], [0], [1], [0, 0, 1, 1], [], []>, transpose_lhs_hint = false} : vector<96x1024xf32>, vector<1024x512xf32>, vector<96x512xf32> -> vector<96x512xf32>
    %get3A_45 = arith.constant 1 : index
    %get3A_46 = arith.constant 0 : index
    %get3A_47 = arith.constant 0 : index
    %get3A_48 = vector.load %arg3[%get3A_45, %get3A_46, %get3A_47] : memref<2x1x512xf32, #tpu.memory_space<vmem>>, vector<1x1x512xf32>
    %get3A_49 = vector.shape_cast %get3A_48 : vector<1x1x512xf32> to vector<1x512xf32>
    %add3A_50 = vector.broadcast %get3A_49 : vector<1x512xf32> to vector<96x512xf32>
    %add3A_51 = arith.addf %dot_general3A_44, %add3A_50 : vector<96x512xf32>
    %logistic3A_52 = arith.negf %add3A_51 : vector<96x512xf32>
    %logistic3A_53 = math.exp %logistic3A_52 : vector<96x512xf32>
    %logistic3A_54 = arith.constant 1.000000e+00 : f32
    %logistic3A_55 = vector.broadcast %logistic3A_54 : f32 to vector<96x512xf32>
    %logistic3A_56 = arith.addf %logistic3A_55, %logistic3A_53 : vector<96x512xf32>
    %logistic3A_57 = arith.divf %logistic3A_55, %logistic3A_56 : vector<96x512xf32>
    %mul3A_58 = arith.mulf %add3A_51, %logistic3A_57 : vector<96x512xf32>
    %get3A_59 = arith.constant 1 : index
    %get3A_60 = arith.constant 0 : index
    %get3A_61 = arith.constant 0 : index
    %get3A_62 = vector.load %arg4[%get3A_59, %get3A_60, %get3A_61] : memref<2x512x1024xf32, #tpu.memory_space<vmem>>, vector<1x512x1024xf32>
    %get3A_63 = vector.shape_cast %get3A_62 : vector<1x512x1024xf32> to vector<512x1024xf32>
    %dot_general3A_64 = arith.constant dense<0.000000e+00> : vector<96x1024xf32>
    %dot_general3A_65 = tpu.matmul %mul3A_58, %get3A_63, %dot_general3A_64 {dimension_numbers = #tpu.dot_dimension_numbers<[1], [0], [0], [1], [0, 0, 1, 1], [], []>, transpose_lhs_hint = false} : vector<96x512xf32>, vector<512x1024xf32>, vector<96x1024xf32> -> vector<96x1024xf32>
    %get3A_66 = arith.constant 1 : index
    %get3A_67 = arith.constant 0 : index
    %get3A_68 = arith.constant 0 : index
    %get3A_69 = vector.load %arg5[%get3A_66, %get3A_67, %get3A_68] : memref<2x1x1024xf32, #tpu.memory_space<vmem>>, vector<1x1x1024xf32>
    %get3A_70 = vector.shape_cast %get3A_69 : vector<1x1x1024xf32> to vector<1x1024xf32>
    %add3A_71 = vector.broadcast %get3A_70 : vector<1x1024xf32> to vector<96x1024xf32>
    %add3A_72 = arith.addf %dot_general3A_65, %add3A_71 : vector<96x1024xf32>
    %swap3A_73 = arith.constant 96 : index
    %swap3A_74 = arith.constant 0 : index
    %swap3A_75 = vector.load %arg6[%swap3A_73, %swap3A_74] : memref<192x1024xf32, #tpu.memory_space<vmem>>, vector<96x1024xf32>
    tpu.vector_store %arg6[%swap3A_73, %swap3A_74], %add3A_72 {strides = array<i32>} : memref<192x1024xf32, #tpu.memory_space<vmem>>, vector<96x1024xf32>,
    return
  }
  func.func @transform_0(%arg0: i32) -> (i32, i32) {
    %c0_i32 = arith.constant 0 : i32
    %c0_i32_0 = arith.constant 0 : i32
    return %arg0, %c0_i32 : i32, i32
  }
  func.func @transform_1(%arg0: i32) -> (i32, i32, i32) {
    %c0_i32 = arith.constant 0 : i32
    %c0_i32_0 = arith.constant 0 : i32
    %c0_i32_1 = arith.constant 0 : i32
    return %arg0, %c0_i32, %c0_i32_0 : i32, i32, i32
  }
  func.func @transform_2(%arg0: i32) -> (i32, i32, i32) {
    %c0_i32 = arith.constant 0 : i32
    %c0_i32_0 = arith.constant 0 : i32
    %c0_i32_1 = arith.constant 0 : i32
    return %arg0, %c0_i32, %c0_i32_0 : i32, i32, i32
  }
  func.func @transform_3(%arg0: i32) -> (i32, i32, i32) {
    %c0_i32 = arith.constant 0 : i32
    %c0_i32_0 = arith.constant 0 : i32
    %c0_i32_1 = arith.constant 0 : i32
    return %arg0, %c0_i32, %c0_i32_0 : i32, i32, i32
  }
  func.func @transform_4(%arg0: i32) -> (i32, i32, i32) {
    %c0_i32 = arith.constant 0 : i32
    %c0_i32_0 = arith.constant 0 : i32
    %c0_i32_1 = arith.constant 0 : i32
    return %arg0, %c0_i32, %c0_i32_0 : i32, i32, i32
  }
  func.func @transform_5(%arg0: i32) -> (i32, i32) {
    %c0_i32 = arith.constant 0 : i32
    %c0_i32_0 = arith.constant 0 : i32
    return %arg0, %c0_i32 : i32, i32
  }
}

module attributes {stable_mosaic.version = 14 : i64} {
  func.func @_stage_f_body(%arg0: i32, %arg1: memref<128x1024xf32, #tpu.memory_space<vmem>>, %arg2: memref<128x1024xf32, #tpu.memory_space<vmem>>, %arg3: memref<128x1xf32, #tpu.memory_space<vmem>>, %arg4: memref<128x1xf32, #tpu.memory_space<vmem>>, %arg5: memref<128x1024xf32, #tpu.memory_space<vmem>>, %arg6: memref<1024x512xf32, #tpu.memory_space<vmem>>, %arg7: memref<1x512xf32, #tpu.memory_space<vmem>>, %arg8: memref<1024x512xf32, #tpu.memory_space<vmem>>, %arg9: memref<1x512xf32, #tpu.memory_space<vmem>>, %arg10: memref<512x1024xf32, #tpu.memory_space<vmem>>, %arg11: memref<1x1024xf32, #tpu.memory_space<vmem>>, %arg12: memref<1024x512xf32, #tpu.memory_space<vmem>>, %arg13: memref<1x512xf32, #tpu.memory_space<vmem>>, %arg14: memref<512x512xf32, #tpu.memory_space<vmem>>, %arg15: memref<1x512xf32, #tpu.memory_space<vmem>>, %arg16: memref<512x512xf32, #tpu.memory_space<vmem>>, %arg17: memref<1x512xf32, #tpu.memory_space<vmem>>, %arg18: memref<128x512xf32, #tpu.memory_space<vmem>>) attributes {dimension_semantics = [#tpu.dimension_semantics<arbitrary>], iteration_bounds = array<i64: 16>, scalar_prefetch = 0 : i64, scratch_operands = 0 : i64, tpu.core_type = #tpu.core_type<tc>, window_params = [{transform_indices = @transform_0, window_bounds = array<i64: 128, 1024>}, {transform_indices = @transform_1, window_bounds = array<i64: 128, 1024>}, {transform_indices = @transform_2, window_bounds = array<i64: 128, 1>}, {transform_indices = @transform_3, window_bounds = array<i64: 128, 1>}, {transform_indices = @transform_4, window_bounds = array<i64: 128, 1024>}, {pipeline_mode = #tpu.pipeline_mode<synchronous>, transform_indices = @transform_5, window_bounds = array<i64: 1024, 512>}, {pipeline_mode = #tpu.pipeline_mode<synchronous>, transform_indices = @transform_6, window_bounds = array<i64: 1, 512>}, {pipeline_mode = #tpu.pipeline_mode<synchronous>, transform_indices = @transform_7, window_bounds = array<i64: 1024, 512>}, {pipeline_mode = #tpu.pipeline_mode<synchronous>, transform_indices = @transform_8, window_bounds = array<i64: 1, 512>}, {pipeline_mode = #tpu.pipeline_mode<synchronous>, transform_indices = @transform_9, window_bounds = array<i64: 512, 1024>}, {pipeline_mode = #tpu.pipeline_mode<synchronous>, transform_indices = @transform_10, window_bounds = array<i64: 1, 1024>}, {pipeline_mode = #tpu.pipeline_mode<synchronous>, transform_indices = @transform_11, window_bounds = array<i64: 1024, 512>}, {pipeline_mode = #tpu.pipeline_mode<synchronous>, transform_indices = @transform_12, window_bounds = array<i64: 1, 512>}, {pipeline_mode = #tpu.pipeline_mode<synchronous>, transform_indices = @transform_13, window_bounds = array<i64: 512, 512>}, {pipeline_mode = #tpu.pipeline_mode<synchronous>, transform_indices = @transform_14, window_bounds = array<i64: 1, 512>}, {pipeline_mode = #tpu.pipeline_mode<synchronous>, transform_indices = @transform_15, window_bounds = array<i64: 512, 512>}, {pipeline_mode = #tpu.pipeline_mode<synchronous>, transform_indices = @transform_16, window_bounds = array<i64: 1, 512>}, {transform_indices = @transform_17, window_bounds = array<i64: 128, 512>}]} {
    %get3A = arith.constant 0 : index
    %get3A_0 = arith.constant 0 : index
    %get3A_1 = vector.load %arg3[%get3A, %get3A_0] : memref<128x1xf32, #tpu.memory_space<vmem>>, vector<128x1xf32>
    %get3A_2 = arith.constant 0 : index
    %get3A_3 = arith.constant 0 : index
    %get3A_4 = vector.load %arg4[%get3A_2, %get3A_3] : memref<128x1xf32, #tpu.memory_space<vmem>>, vector<128x1xf32>
    %gt3A = arith.constant 0.000000e+00 : f32
    %gt3A_5 = vector.broadcast %gt3A : f32 to vector<128x1xf32>
    %gt3A_6 = arith.cmpf ogt, %get3A_1, %gt3A_5 : vector<128x1xf32>
    %get3A_7 = arith.constant 0 : index
    %get3A_8 = arith.constant 0 : index
    %get3A_9 = vector.load %arg1[%get3A_7, %get3A_8] : memref<128x1024xf32, #tpu.memory_space<vmem>>, vector<128x1024xf32>
    %mul3A = vector.broadcast %get3A_1 : vector<128x1xf32> to vector<128x1024xf32>
    %mul3A_10 = arith.mulf %get3A_9, %mul3A : vector<128x1024xf32>
    %jit3A = arith.constant 0.000000e+00 : f32
    %broadcast_in_dim3A = vector.shape_cast %gt3A_6 : vector<128x1xi1> to vector<128x1xi1>
    %broadcast_in_dim3A_11 = vector.broadcast %broadcast_in_dim3A : vector<128x1xi1> to vector<128x1024xi1>
    %broadcast_in_dim3A_12 = vector.broadcast %jit3A : f32 to vector<128x1024xf32>
    %select_n3A = arith.select %broadcast_in_dim3A_11, %mul3A_10, %broadcast_in_dim3A_12 : vector<128x1024xi1>, vector<128x1024xf32>
    %gt3A_13 = arith.constant 0.000000e+00 : f32
    %gt3A_14 = vector.broadcast %gt3A_13 : f32 to vector<128x1xf32>
    %gt3A_15 = arith.cmpf ogt, %get3A_4, %gt3A_14 : vector<128x1xf32>
    %get3A_16 = arith.constant 0 : index
    %get3A_17 = arith.constant 0 : index
    %get3A_18 = vector.load %arg2[%get3A_16, %get3A_17] : memref<128x1024xf32, #tpu.memory_space<vmem>>, vector<128x1024xf32>
    %mul3A_19 = vector.broadcast %get3A_4 : vector<128x1xf32> to vector<128x1024xf32>
    %mul3A_20 = arith.mulf %get3A_18, %mul3A_19 : vector<128x1024xf32>
    %jit3A_21 = arith.constant 0.000000e+00 : f32
    %broadcast_in_dim3A_22 = vector.shape_cast %gt3A_15 : vector<128x1xi1> to vector<128x1xi1>
    %broadcast_in_dim3A_23 = vector.broadcast %broadcast_in_dim3A_22 : vector<128x1xi1> to vector<128x1024xi1>
    %broadcast_in_dim3A_24 = vector.broadcast %jit3A_21 : f32 to vector<128x1024xf32>
    %select_n3A_25 = arith.select %broadcast_in_dim3A_23, %mul3A_20, %broadcast_in_dim3A_24 : vector<128x1024xi1>, vector<128x1024xf32>
    %add3A = arith.addf %select_n3A, %select_n3A_25 : vector<128x1024xf32>
    %get3A_26 = arith.constant 0 : index
    %get3A_27 = arith.constant 0 : index
    %get3A_28 = vector.load %arg5[%get3A_26, %get3A_27] : memref<128x1024xf32, #tpu.memory_space<vmem>>, vector<128x1024xf32>
    %get3A_29 = arith.constant 0 : index
    %get3A_30 = arith.constant 0 : index
    %get3A_31 = vector.load %arg6[%get3A_29, %get3A_30] : memref<1024x512xf32, #tpu.memory_space<vmem>>, vector<1024x512xf32>
    %dot_general3A = arith.constant dense<0.000000e+00> : vector<128x512xf32>
    %dot_general3A_32 = tpu.matmul %get3A_28, %get3A_31, %dot_general3A {dimension_numbers = #tpu.dot_dimension_numbers<[1], [0], [0], [1], [0, 0, 1, 1], [], []>, transpose_lhs_hint = false} : vector<128x1024xf32>, vector<1024x512xf32>, vector<128x512xf32> -> vector<128x512xf32>
    %get3A_33 = arith.constant 0 : index
    %get3A_34 = arith.constant 0 : index
    %get3A_35 = vector.load %arg8[%get3A_33, %get3A_34] : memref<1024x512xf32, #tpu.memory_space<vmem>>, vector<1024x512xf32>
    %dot_general3A_36 = arith.constant dense<0.000000e+00> : vector<128x512xf32>
    %dot_general3A_37 = tpu.matmul %get3A_28, %get3A_35, %dot_general3A_36 {dimension_numbers = #tpu.dot_dimension_numbers<[1], [0], [0], [1], [0, 0, 1, 1], [], []>, transpose_lhs_hint = false} : vector<128x1024xf32>, vector<1024x512xf32>, vector<128x512xf32> -> vector<128x512xf32>
    %get3A_38 = arith.constant 0 : index
    %get3A_39 = arith.constant 0 : index
    %get3A_40 = vector.load %arg7[%get3A_38, %get3A_39] : memref<1x512xf32, #tpu.memory_space<vmem>>, vector<1x512xf32>
    %add3A_41 = vector.broadcast %get3A_40 : vector<1x512xf32> to vector<128x512xf32>
    %add3A_42 = arith.addf %dot_general3A_32, %add3A_41 : vector<128x512xf32>
    %logistic3A = arith.negf %add3A_42 : vector<128x512xf32>
    %logistic3A_43 = math.exp %logistic3A : vector<128x512xf32>
    %logistic3A_44 = arith.constant 1.000000e+00 : f32
    %logistic3A_45 = vector.broadcast %logistic3A_44 : f32 to vector<128x512xf32>
    %logistic3A_46 = arith.addf %logistic3A_45, %logistic3A_43 : vector<128x512xf32>
    %logistic3A_47 = arith.divf %logistic3A_45, %logistic3A_46 : vector<128x512xf32>
    %mul3A_48 = arith.mulf %add3A_42, %logistic3A_47 : vector<128x512xf32>
    %get3A_49 = arith.constant 0 : index
    %get3A_50 = arith.constant 0 : index
    %get3A_51 = vector.load %arg9[%get3A_49, %get3A_50] : memref<1x512xf32, #tpu.memory_space<vmem>>, vector<1x512xf32>
    %add3A_52 = vector.broadcast %get3A_51 : vector<1x512xf32> to vector<128x512xf32>
    %add3A_53 = arith.addf %dot_general3A_37, %add3A_52 : vector<128x512xf32>
    %mul3A_54 = arith.mulf %mul3A_48, %add3A_53 : vector<128x512xf32>
    %get3A_55 = arith.constant 0 : index
    %get3A_56 = arith.constant 0 : index
    %get3A_57 = vector.load %arg10[%get3A_55, %get3A_56] : memref<512x1024xf32, #tpu.memory_space<vmem>>, vector<512x1024xf32>
    %dot_general3A_58 = arith.constant dense<0.000000e+00> : vector<128x1024xf32>
    %dot_general3A_59 = tpu.matmul %mul3A_54, %get3A_57, %dot_general3A_58 {dimension_numbers = #tpu.dot_dimension_numbers<[1], [0], [0], [1], [0, 0, 1, 1], [], []>, transpose_lhs_hint = false} : vector<128x512xf32>, vector<512x1024xf32>, vector<128x1024xf32> -> vector<128x1024xf32>
    %add3A_60 = arith.addf %add3A, %dot_general3A_59 : vector<128x1024xf32>
    %get3A_61 = arith.constant 0 : index
    %get3A_62 = arith.constant 0 : index
    %get3A_63 = vector.load %arg11[%get3A_61, %get3A_62] : memref<1x1024xf32, #tpu.memory_space<vmem>>, vector<1x1024xf32>
    %add3A_64 = vector.broadcast %get3A_63 : vector<1x1024xf32> to vector<128x1024xf32>
    %add3A_65 = arith.addf %add3A_60, %add3A_64 : vector<128x1024xf32>
    %get3A_66 = arith.constant 0 : index
    %get3A_67 = arith.constant 0 : index
    %get3A_68 = vector.load %arg12[%get3A_66, %get3A_67] : memref<1024x512xf32, #tpu.memory_space<vmem>>, vector<1024x512xf32>
    %dot_general3A_69 = arith.constant dense<0.000000e+00> : vector<128x512xf32>
    %dot_general3A_70 = tpu.matmul %add3A_65, %get3A_68, %dot_general3A_69 {dimension_numbers = #tpu.dot_dimension_numbers<[1], [0], [0], [1], [0, 0, 1, 1], [], []>, transpose_lhs_hint = false} : vector<128x1024xf32>, vector<1024x512xf32>, vector<128x512xf32> -> vector<128x512xf32>
    %get3A_71 = arith.constant 0 : index
    %get3A_72 = arith.constant 0 : index
    %get3A_73 = vector.load %arg13[%get3A_71, %get3A_72] : memref<1x512xf32, #tpu.memory_space<vmem>>, vector<1x512xf32>
    %add3A_74 = vector.broadcast %get3A_73 : vector<1x512xf32> to vector<128x512xf32>
    %add3A_75 = arith.addf %dot_general3A_70, %add3A_74 : vector<128x512xf32>
    %logistic3A_76 = arith.negf %add3A_75 : vector<128x512xf32>
    %logistic3A_77 = math.exp %logistic3A_76 : vector<128x512xf32>
    %logistic3A_78 = arith.constant 1.000000e+00 : f32
    %logistic3A_79 = vector.broadcast %logistic3A_78 : f32 to vector<128x512xf32>
    %logistic3A_80 = arith.addf %logistic3A_79, %logistic3A_77 : vector<128x512xf32>
    %logistic3A_81 = arith.divf %logistic3A_79, %logistic3A_80 : vector<128x512xf32>
    %mul3A_82 = arith.mulf %add3A_75, %logistic3A_81 : vector<128x512xf32>
    %get3A_83 = arith.constant 0 : index
    %get3A_84 = arith.constant 0 : index
    %get3A_85 = vector.load %arg14[%get3A_83, %get3A_84] : memref<512x512xf32, #tpu.memory_space<vmem>>, vector<512x512xf32>
    %dot_general3A_86 = arith.constant dense<0.000000e+00> : vector<128x512xf32>
    %dot_general3A_87 = tpu.matmul %mul3A_82, %get3A_85, %dot_general3A_86 {dimension_numbers = #tpu.dot_dimension_numbers<[1], [0], [0], [1], [0, 0, 1, 1], [], []>, transpose_lhs_hint = false} : vector<128x512xf32>, vector<512x512xf32>, vector<128x512xf32> -> vector<128x512xf32>
    %get3A_88 = arith.constant 0 : index
    %get3A_89 = arith.constant 0 : index
    %get3A_90 = vector.load %arg15[%get3A_88, %get3A_89] : memref<1x512xf32, #tpu.memory_space<vmem>>, vector<1x512xf32>
    %add3A_91 = vector.broadcast %get3A_90 : vector<1x512xf32> to vector<128x512xf32>
    %add3A_92 = arith.addf %dot_general3A_87, %add3A_91 : vector<128x512xf32>
    %get3A_93 = arith.constant 0 : index
    %get3A_94 = arith.constant 0 : index
    %get3A_95 = vector.load %arg16[%get3A_93, %get3A_94] : memref<512x512xf32, #tpu.memory_space<vmem>>, vector<512x512xf32>
    %dot_general3A_96 = arith.constant dense<0.000000e+00> : vector<128x512xf32>
    %dot_general3A_97 = tpu.matmul %add3A_92, %get3A_95, %dot_general3A_96 {dimension_numbers = #tpu.dot_dimension_numbers<[1], [0], [0], [1], [0, 0, 1, 1], [], []>, transpose_lhs_hint = false} : vector<128x512xf32>, vector<512x512xf32>, vector<128x512xf32> -> vector<128x512xf32>
    %get3A_98 = arith.constant 0 : index
    %get3A_99 = arith.constant 0 : index
    %get3A_100 = vector.load %arg17[%get3A_98, %get3A_99] : memref<1x512xf32, #tpu.memory_space<vmem>>, vector<1x512xf32>
    %add3A_101 = vector.broadcast %get3A_100 : vector<1x512xf32> to vector<128x512xf32>
    %add3A_102 = arith.addf %dot_general3A_97, %add3A_101 : vector<128x512xf32>
    %swap3A = arith.constant 0 : index
    %swap3A_103 = arith.constant 0 : index
    %swap3A_104 = vector.load %arg18[%swap3A, %swap3A_103] : memref<128x512xf32, #tpu.memory_space<vmem>>, vector<128x512xf32>
    tpu.vector_store %arg18[%swap3A, %swap3A_103], %add3A_102 {strides = array<i32>} : memref<128x512xf32, #tpu.memory_space<vmem>>, vector<128x512xf32>,
    return
  }
  func.func @transform_0(%arg0: i32) -> (i32, i32) {
    %c0_i32 = arith.constant 0 : i32
    %c0_i32_0 = arith.constant 0 : i32
    return %arg0, %c0_i32 : i32, i32
  }
  func.func @transform_1(%arg0: i32) -> (i32, i32) {
    %add3A = arith.constant 16 : i32
    %add3A_0 = arith.addi %add3A, %arg0 : i32
    %c0_i32 = arith.constant 0 : i32
    %c0_i32_1 = arith.constant 0 : i32
    return %add3A_0, %c0_i32 : i32, i32
  }
  func.func @transform_2(%arg0: i32) -> (i32, i32) {
    %c0_i32 = arith.constant 0 : i32
    %c0_i32_0 = arith.constant 0 : i32
    return %arg0, %c0_i32 : i32, i32
  }
  func.func @transform_3(%arg0: i32) -> (i32, i32) {
    %add3A = arith.constant 16 : i32
    %add3A_0 = arith.addi %add3A, %arg0 : i32
    %c0_i32 = arith.constant 0 : i32
    %c0_i32_1 = arith.constant 0 : i32
    return %add3A_0, %c0_i32 : i32, i32
  }
  func.func @transform_4(%arg0: i32) -> (i32, i32) {
    %c0_i32 = arith.constant 0 : i32
    %c0_i32_0 = arith.constant 0 : i32
    return %arg0, %c0_i32 : i32, i32
  }
  func.func @transform_5(%arg0: i32) -> (i32, i32) {
    %c0_i32 = arith.constant 0 : i32
    %c0_i32_0 = arith.constant 0 : i32
    %c0_i32_1 = arith.constant 0 : i32
    return %c0_i32, %c0_i32_0 : i32, i32
  }
  func.func @transform_6(%arg0: i32) -> (i32, i32) {
    %c0_i32 = arith.constant 0 : i32
    %c0_i32_0 = arith.constant 0 : i32
    %c0_i32_1 = arith.constant 0 : i32
    return %c0_i32, %c0_i32_0 : i32, i32
  }
  func.func @transform_7(%arg0: i32) -> (i32, i32) {
    %c0_i32 = arith.constant 0 : i32
    %c0_i32_0 = arith.constant 0 : i32
    %c0_i32_1 = arith.constant 0 : i32
    return %c0_i32, %c0_i32_0 : i32, i32
  }
  func.func @transform_8(%arg0: i32) -> (i32, i32) {
    %c0_i32 = arith.constant 0 : i32
    %c0_i32_0 = arith.constant 0 : i32
    %c0_i32_1 = arith.constant 0 : i32
    return %c0_i32, %c0_i32_0 : i32, i32
  }
  func.func @transform_9(%arg0: i32) -> (i32, i32) {
    %c0_i32 = arith.constant 0 : i32
    %c0_i32_0 = arith.constant 0 : i32
    %c0_i32_1 = arith.constant 0 : i32
    return %c0_i32, %c0_i32_0 : i32, i32
  }
  func.func @transform_10(%arg0: i32) -> (i32, i32) {
    %c0_i32 = arith.constant 0 : i32
    %c0_i32_0 = arith.constant 0 : i32
    %c0_i32_1 = arith.constant 0 : i32
    return %c0_i32, %c0_i32_0 : i32, i32
  }
  func.func @transform_11(%arg0: i32) -> (i32, i32) {
    %c0_i32 = arith.constant 0 : i32
    %c0_i32_0 = arith.constant 0 : i32
    %c0_i32_1 = arith.constant 0 : i32
    return %c0_i32, %c0_i32_0 : i32, i32
  }
  func.func @transform_12(%arg0: i32) -> (i32, i32) {
    %c0_i32 = arith.constant 0 : i32
    %c0_i32_0 = arith.constant 0 : i32
    %c0_i32_1 = arith.constant 0 : i32
    return %c0_i32, %c0_i32_0 : i32, i32
  }
  func.func @transform_13(%arg0: i32) -> (i32, i32) {
    %c0_i32 = arith.constant 0 : i32
    %c0_i32_0 = arith.constant 0 : i32
    %c0_i32_1 = arith.constant 0 : i32
    return %c0_i32, %c0_i32_0 : i32, i32
  }
  func.func @transform_14(%arg0: i32) -> (i32, i32) {
    %c0_i32 = arith.constant 0 : i32
    %c0_i32_0 = arith.constant 0 : i32
    %c0_i32_1 = arith.constant 0 : i32
    return %c0_i32, %c0_i32_0 : i32, i32
  }
  func.func @transform_15(%arg0: i32) -> (i32, i32) {
    %c0_i32 = arith.constant 0 : i32
    %c0_i32_0 = arith.constant 0 : i32
    %c0_i32_1 = arith.constant 0 : i32
    return %c0_i32, %c0_i32_0 : i32, i32
  }
  func.func @transform_16(%arg0: i32) -> (i32, i32) {
    %c0_i32 = arith.constant 0 : i32
    %c0_i32_0 = arith.constant 0 : i32
    %c0_i32_1 = arith.constant 0 : i32
    return %c0_i32, %c0_i32_0 : i32, i32
  }
  func.func @transform_17(%arg0: i32) -> (i32, i32) {
    %c0_i32 = arith.constant 0 : i32
    %c0_i32_0 = arith.constant 0 : i32
    return %arg0, %c0_i32 : i32, i32
  }
}

</mosaic_0001>

<sc_bundles>
// kernel: kernel.10.cloned.1.call-start
scs
__scs_entry_jumppad:
0x0: {  	(pc) =	sbr.rel $0x88, $3  }
0x1: {  	(tag) =	ssettag $0x0;
	lr =	simm.s32 $0x1  }
0x2: {  	[smem:$0x3F8D] =	sst lr;
	_ =	strace $0xD0000000  }
0x3: {  	_ = 	snop  }
0x4: {  	_ = 	snop  }
0x5: {  	_ = 	snop  }
0x6: {  	_ = 	snop  }
0x7: {  	_ = 	snop  }
__scs_overlays_trampoline_lowered:
0x8: {  	[smem:$0x3F9C] =	sst s0  }
0x9: {  	[smem:$0x3F9D] =	sst s1  }
0xa: {  	[smem:$0x3F9E] =	sst s2  }
0xb: {  	[smem:$0x3F9F] =	sst s3  }
0xc: {  	[smem:$0x3FA0] =	sst s4  }
0xd: {  	[smem:$0x3FA1] =	sst s5  }
0xe: {  	[smem:$0x3FA2] =	sst s6  }
0xf: {  	[smem:$0x3FA3] =	sst s7  }
0x10: {  	[smem:$0x3FA4] =	sst s8  }
0x11: {  	[smem:$0x3FA5] =	sst s9;
	s0 =	simm.s32 @!p0 $0x0  }
0x12: {  	s1 =	sld [smem:$0x3F8B];
	s0 =	simm.s32 @p0 $0x1  }
0x13: {  	[smem:$0x3FA6] =	sst s0;
	s0 =	simm.s32 @!p1 $0x0  }
0x14: {  	s2 =	sld [smem:$0x3F8A];
	s0 =	simm.s32 @p1 $0x1  }
0x15: {  	[smem:$0x3FA7] =	sst s0;
	s0 =	simm.s32 @!p2 $0x0  }
0x16: {  	s3 =	sld [smem:$0x3FDB];
	s0 =	simm.s32 @p2 $0x1  }
0x17: {  	s4 =	simm.s32 $0x1BF5;
	[smem:$0x3FA9] =	sst s0  }
0x18: {  	s0 =	sld [smem:$0x3F8C];
	_ =	swait.ge [sflag:s4], $0x0  }
0x19: {  	s7 =	sld [smem:$0x3F8D]  }
0x1a: {  	s8 =	sadd.s32 $0xFFFFE003, lr  }
0x1b: {  	s9 =	sadd.s32 $0xFFFFFEF7, lr;
	s5 =	simm.s32 $0xFFFFFFFF;
	p2 =	slt.u32 s8, $0xFFFFF086  }
0x1c: {  	p1 =	slt.u32 s9, $0xF7A;
	s5 =	simm.s32 @!p2 $0x0  }
0x1d: {  	s5 =	simm.s32 @p1 $0x1;
	p0 =	seq.s32 s7, s2  }
0x1e: {  	s7 =	smul.u32 @!p0 $0xF7A, s2;
	p2 =	seq.s32 @!p0 s5, $0x0  }
0x1f: {  	s9 =	smul.u32 $0xF7A, s1;
	s8 =	simm.s32 @!p0 $0x1BF5;
	p2 =	por !p2, p0  }
0x20: {  	[sflag:s8] =	ssyncset.s32 @!p0 $0xFFFFF086;
	s6 =	sadd.s32 @!p0 s3, s7;
	s7 =	simm.s32 @!p0 $0x108  }
0x21: {  	s3 =	sadd.s32 s3, s9;
	s6 =	sadd.s32 @!p0 $0x88, s6;
	s7 =	simm.s32 @p2 $0x1082  }
0x22: {  	[simem:s7], [sflag:s8] =	dma.local @!p0 [hbm:s6], $0xF7A  }
0x23: {  	s9 =	sor.u32 $0xD0000000, s2;
	s6 =	simm.s32 $0x108;
	_ =	swait.ge @!p0 [sflag:s8], $0x0  }
0x24: {  	s3 =	sadd.s32 $0x88, s3;
	s6 =	simm.s32 @!p1 $0x1082;
	[sflag:s4] =	ssyncset.s32 $0xFFFFF086  }
0x25: {  	[simem:s6], [sflag:s4] =	dma.local [hbm:s3], $0xF7A  }
0x26: {  	[smem:$0x3F8D] =	sst s1;
	(tag) =	ssettag s2;
	_ =	strace s9  }
0x27: {  	s1 =	sld [smem:$0x3F9D]  }
0x28: {  	s2 =	sld [smem:$0x3F9E]  }
0x29: {  	s4 =	sld [smem:$0x3FA0]  }
0x2a: {  	p0 =	seq.s32 s5, $0x0;
	s5 =	sld [smem:$0x3FA1]  }
0x2b: {  	s6 =	sld [smem:$0x3FA2]  }
0x2c: {  	s7 =	sld [smem:$0x3FA3]  }
0x2d: {  	s3 =	simm.s32 $0x108;
	s8 =	sld [smem:$0x3FA4]  }
0x2e: {  	s3 =	simm.s32 @!p0 $0x1082;
	s9 =	sld [smem:$0x3FA5]  }
0x2f: {  	lr =	sadd.s32 s0, s3;
	s0 =	sld [smem:$0x3F9C]  }
0x30: {  	s3 =	sld [smem:$0x3F9F]  }
0x31: {  	[smem:$0x3FA8] =	sst s10  }
0x32: {  	s10 =	sld [smem:$0x3FA6];
	_ =	sdelay $0x3  }
0x33: {  	p0 =	seq.s32 s10, $0x1;
	s10 =	sld [smem:$0x3FA8];
	_ =	sdelay $0x3  }
0x34: {  	[smem:$0x3FA8] =	sst s10  }
0x35: {  	s10 =	sld [smem:$0x3FA7];
	_ =	sdelay $0x3  }
0x36: {  	p1 =	seq.s32 s10, $0x1;
	s10 =	sld [smem:$0x3FA8];
	_ =	sdelay $0x3  }
0x37: {  	[smem:$0x3FA8] =	sst s10  }
0x38: {  	s10 =	sld [smem:$0x3FA9]  }
0x39: {  	_ = 	snop;
	(pc) =	sbr.ind lr, $3  }
0x3a: {  	_ = 	snop  }
0x3b: {  	_ = 	snop  }
0x3c: {  	p2 =	seq.s32 s10, $0x1;
	s10 =	sld [smem:$0x3FA8]  }
0x3d: {  	_ =	shalt  }
0x3e: {  	_ =	shalt  }
0x3f: {  	_ =	shalt  }
0x40: {  	_ =	shalt  }
0x41: {  	_ =	shalt  }
0x42: {  	_ =	shalt  }
0x43: {  	_ =	shalt  }
0x44: {  	_ =	shalt  }
0x45: {  	_ =	shalt  }
0x46: {  	_ =	shalt  }
0x47: {  	_ =	shalt  }
0x48: {  	_ =	shalt  }
0x49: {  	_ =	shalt  }
0x4a: {  	_ =	shalt  }
0x4b: {  	_ =	shalt  }
0x4c: {  	_ =	shalt  }
0x4d: {  	_ =	shalt  }
0x4e: {  	_ =	shalt  }
0x4f: {  	_ =	shalt  }
0x50: {  	_ =	shalt  }
0x51: {  	_ =	shalt  }
0x52: {  	_ =	shalt  }
0x53: {  	_ =	shalt  }
0x54: {  	_ =	shalt  }
0x55: {  	_ =	shalt  }
0x56: {  	_ =	shalt  }
0x57: {  	_ =	shalt  }
0x58: {  	_ =	shalt  }
0x59: {  	_ =	shalt  }
0x5a: {  	_ =	shalt  }
0x5b: {  	_ =	shalt  }
0x5c: {  	_ =	shalt  }
0x5d: {  	_ =	shalt  }
0x5e: {  	_ =	shalt  }
0x5f: {  	_ =	shalt  }
0x60: {  	_ =	shalt  }
0x61: {  	_ =	shalt  }
0x62: {  	_ =	shalt  }
0x63: {  	_ =	shalt  }
0x64: {  	_ =	shalt  }
0x65: {  	_ =	shalt  }
0x66: {  	_ =	shalt  }
0x67: {  	_ =	shalt  }
0x68: {  	_ =	shalt  }
0x69: {  	_ =	shalt  }
0x6a: {  	_ =	shalt  }
0x6b: {  	_ =	shalt  }
0x6c: {  	_ =	shalt  }
0x6d: {  	_ =	shalt  }
0x6e: {  	_ =	shalt  }
0x6f: {  	_ =	shalt  }
0x70: {  	_ =	shalt  }
0x71: {  	_ =	shalt  }
0x72: {  	_ =	shalt  }
0x73: {  	_ =	shalt  }
0x74: {  	_ =	shalt  }
0x75: {  	_ =	shalt  }
0x76: {  	_ =	shalt  }
0x77: {  	_ =	shalt  }
0x78: {  	_ =	shalt  }
0x79: {  	_ =	shalt  }
0x7a: {  	_ =	shalt  }
0x7b: {  	_ =	shalt  }
0x7c: {  	_ =	shalt  }
0x7d: {  	_ =	shalt  }
0x7e: {  	_ =	shalt  }
0x7f: {  	_ =	shalt  }
0x80: {  	_ =	shalt  }
0x81: {  	_ =	shalt  }
0x82: {  	_ =	shalt  }
0x83: {  	_ =	shalt  }
0x84: {  	_ =	shalt  }
0x85: {  	_ =	shalt  }
0x86: {  	_ =	shalt  }
0x87: {  	_ =	shalt  }
.Lfunc_end0:
.L_simem_size_0:
called_computation.1_lowered:
.L_overlay_start_0:
0x88: {  	s2 =	sld [smem:$0x3FD9]  }
0x89: {  	s3 =	sld [smem:$0x3FFE];
	_ =	sdelay $0x1  }
0x8a: {  	s1 =	srdreg.scid  }
0x8b: {  	s0 =	sand.u32 $0x1, s1  }
0x8c: {  	s16 =	sshll.u32 s0, $0xA;
	s2 =	sadd.s32 s3, s2  }
0x8d: {  	s2 =	sadd.s32 s2, s16  }
0x8e: {  	[smem:$0x3FB4] =	sst s2  }
0x8f: {  	_ = 	snop  }
0x90: {  	(tm) =	ssettm $0x1  }
0x91: {  	s17 =	sld [smem:$0x3FFB];
	_ =	sdelay $0x3  }
0x92: {  	_ =	strace s17  }
0x93: {  	s2 =	sld [smem:$0x3FFC];
	_ =	sdelay $0x3  }
0x94: {  	_ =	strace s2  }
0x95: {  	s2 =	sld [smem:$0x3FFD];
	_ =	sdelay $0x3  }
0x96: {  	_ =	strace s2  }
0x97: {  	_ =	strace $0x8FFFFFFF  }
0x98: {  	s18 =	sld [smem:$0x3FDB];
	_ =	sdelay $0x1  }
0x99: {  	s19 =	simm.s32 $_scs_section_size  }
0x9a: {  	s4 =	simm.s32 $_size__tile_overlayer_lowered;
	s5 =	simm.s32 $_tile_overlayer_lowered  }
0x9b: {  	s22 =	simm.s32 $0x1BFF;
	s21 =	sshll.u32 s5, $0x1;
	s2 =	sadd.s32 s19, s18  }
0x9c: {  	s6 =	simm.s32 $0x0;
	s20 =	sshll.u32 s4, $0x1;
	s4 =	sadd.s32 s21, s2  }
0x9d: {  	[timem:s6], [sflag:s22] =	dma.local [hbm:s4], s20  }
0x9e: {  	_ =	swait.ge [sflag:s22], s20  }
0x9f: {  	s3 =	ssub.s32 $0x0, s20;
	[sflag:s22] =	ssyncset.done $0x0  }
0xa0: {  	[sflag:s22] =	ssyncadd.s32 s3;
	_ =	sdelay $0x1  }
0xa1: {  	s23 =	simm.s32 $0x1B8B  }
0xa2: {  	_ =	swait.ge [sflag:s23], $0x1  }
0xa3: {  	[sflag:s23] =	ssyncset.done $0x0  }
0xa4: {  	s25 =	simm.s32 $0x1B8E;
	s24 =	sld [smem:$0x3FFE];
	[sflag:s23] =	ssyncadd.s32 $0xFFFFFFFF  }
0xa5: {  	s26 =	simm.s32 $execute0_lowered;
	[smem:$0x3FD2] =	sst s25  }
0xa6: {  	s4 =	sshll.u32 s26, $0x1;
	_ =	strace $0x80000049;
	[dreg:$0x1] =	wrdreg $0xFFFFFFFF  }
0xa7: {  	s28 =	simm.s32 $_size_execute0_lowered;
	s2 =	sadd.s32 s2, s4;
	[dreg:$0x0] =	wrdreg $0x0  }
0xa8: {  	s4 =	sshll.u32 s28, $0x1;
	[dreg:$0x2] =	wrdreg s2  }
0xa9: {  	[dreg:$0x3] =	wrdreg s4  }
0xaa: {  	[dreg:$0x4] =	wrdreg $0xC0  }
0xab: {  	_ =	task [dreg:s6], $0x5FFFF  }
0xac: {  	[dreg:$0x1] =	wrdreg $0xFFFFFFFF  }
0xad: {  	[dreg:$0x0] =	wrdreg $0x60  }
0xae: {  	[dreg:$0x2] =	wrdreg s24  }
0xaf: {  	[dreg:$0x3] =	wrdreg $0x9  }
0xb0: {  	_ =	task.clear_ibuf [dreg:s6], $0x4FFFF;
	_ =	strace $0x90000049  }
0xb1: {  	s29 =	simm.s32 $0x9;
	_ =	strace $0x8000004B  }
0xb2: {  	_ =	swait.ge [sflag:s29], $0x1  }
0xb3: {  	[sflag:s29] =	ssyncadd.s32 $0xFFFFFFFF  }
0xb4: {  	_ =	strace $0x9000004B  }
0xb5: {  	_ =	sfence  }
0xb6: {  	s30 =	sld [smem:$0x0];
	_ =	sdelay $0x2  }
0xb7: {  	s31 =	sshll.u32 s1, $0xD;
	s1 =	sshrl.u32 s1, $0x2  }
0xb8: {  	s3 =	sand.u32 $0x4000, s31;
	s1 =	sadd.s32 s1, s30  }
0xb9: {  	s0 =	sor.u32 s3, s0;
	s1 =	sshll.u32 s1, $0x11  }
0xba: {  	s0 =	sor.u32 s1, s0  }
0xbb: {  	s0 =	sadd.s32 $0x8F2B, s0  }
0xbc: {  	[sflag:s0] =	ssyncadd.remote.s32 $0x1  }
0xbd: {  	_ =	sfence.sel $0xFFFF  }
0xbe: {  	[dreg:$0x0] =	wrdreg $0xFFFFFFFF;
	(pc) =	sbr.abs _section_cstart, $3  }
0xbf: {  	[dreg:$0x1] =	wrdreg $0xFFFFFFFF  }
0xc0: {  	_ =	task.clear_ibuf [dreg:s6], $0x2FFFF;
	_ =	strace $0x9FFFFFFF  }
0xc1: {  	(tm) =	ssettm $0x7FFFFFFF  }
tec
execute0_lowered:
.L_overlay_start_1:
0x0: {  	(tag) =	ssettag $0x1  }
0x1: {  	s0 =	rddreg [dreg:$0x0];
	s1 =	srdreg.scid  }
0x2: {  	s3 =	stileid.u32;
	s2 =	simm.s32 $0x0;
	s19 =	simm.s32 $0x3  }
0x3: {  	s20 =	simm.s32 $0x2;
	s21 =	simm.s32 $0x4;
	s23 =	simm.s32 $0xA00  }
0x4: {  	s28 =	simm.s32 $0x2200;
	s29 =	simm.s32 $0x2A00;
	s30 =	simm.s32 $0x3200  }
0x5: {  	s31 =	simm.s32 $0x3A00;
	s10 =	simm.s32 $0x5200;
	s11 =	simm.s32 $0x5A00  }
0x6: {  	s12 =	simm.s32 $0x6200;
	s13 =	simm.s32 $0x6A00;
	s14 =	simm.s32 $0x7200  }
0x7: {  	s15 =	simm.s32 $0x7A00;
	s18 =	simm.s32 $0x8200;
	s16 =	simm.s32 $0x8A00  }
0x8: {  	s1 =	sand.u32 $0x1, s1;
	s3 =	sshll.u32 s3, $0x1;
	[smem:$0x7FF] =	sst s2  }
0x9: {  	s17 =	simm.s32 $0x9200;
	s4 =	sor.u32 s1, s3;
	_ =	strace $0x8000004A  }
0xa: {  	s3 =	sadd.s32 $0x107800, s0;
	s1 =	ssub.s32 $0x2, s1;
	s5 =	sshll.u32 s4, $0x6  }
0xb: {  	s4 =	sshll.u32 s4, $0xE;
	s24 =	sshrl.u32 s1, $0x1;
	s5 =	sadd.s32 s5, s0  }
0xc: {  	s7 =	sadd.s32 s4, s0;
	s1 =	ssub.s32 s1, s24;
	s5 =	sadd.s32 $0x107000, s5  }
0xd: {  	s4 =	sadd.s32 $0x107900, s0;
	s25 =	sadd.s32 $0x43800, s7;
	[dreg:$0x2] =	wrdreg s5  }
0xe: {  	s24 =	simm.s32 $0x1200;
	s6 =	sadd.s32 $0x44800, s7;
	[dreg:$0x3] =	wrdreg s25  }
0xf: {  	s8 =	sadd.s32 $0x45800, s7;
	s26 =	sadd.s32 $0x46800, s7;
	[dreg:$0x4] =	wrdreg s6  }
0x10: {  	v2 =	vlaneseq.u32;
	s7 =	smax.u32 s1, $0x1;
	s1 =	simm.s32 $0x4A00;
	[dreg:$0x5] =	wrdreg s8  }
0x11: {  	vm0 =	vmmov $0xffff;
	v1 =	vshrl.u32 v2, $0x3;
	s5 =	sadd.s32 $0x107A00, s0;
	s6 =	sadd.s32 $0x107B00, s0;
	[dreg:$0x6] =	wrdreg s26  }
0x12: {  	v0 =	vand.u32 $0x7, v2;
	v2 =	vor.u32 $0x8, v2;
	v1 =	vmul.u32 $0x8, v1;
	s8 =	simm.s32 $0x1;
	s25 =	simm.s32 $0x200;
	s26 =	simm.s32 $0x1A00  }
.LBB2_1:
0x13: {  	s22 =	rddreg [dreg:$0x2];
	s0 =	simm.s32 $0x5  }
0x14: {  	[tilespmem:s2], [sflag:$0x5] =	stream.linear.gather [hbm4b:s22+s2], $0x200, $0x38;
	[tilespmem:$0x10200] =	vst v63  }
0x15: {  	_ =	swait.ge [sflag:s0], $0x200  }
0x16: {  	[sflag:s0] =	ssyncset.done $0x0  }
0x17: {  	[sflag:s0] =	ssyncadd.s32 $0xFFFFFE00  }
0x18: {  	v3 =	vld [tilespmem:$0x0];
	_ =	sdelay $0x4  }
0x19: {  	v4 =	vshll.u32 v3, $0x3  }
0x1a: {  	v3 =	vand.u32 $0x7, v3;
	v4 =	vand.u32 $0xFFFFFFC0, v4  }
0x1b: {  	v3 =	vor.u32 v3, v4  }
0x1c: {  	v4 =	vperm.xlane v3, v0;
	_ =	sdelay $0x1  }
0x1d: {  	v4 =	vadd.s32 v1, v4;
	_ =	sdelay $0x4  }
0x1e: {  	[tilespmem:s25], [sflag:$0x1] =	stream.indirect_vreg.gather [hbm4b:s3+s2], $0x80, v4, vm0, $0xb8;
	[tilespmem:$0x10200] =	vst v63  }
0x1f: {  	v3 =	vperm.xlane v3, v2  }
0x20: {  	[tilespmem:s23], [sflag:$0x1] =	stream.indirect_vreg.gather [hbm4b:s4+s2], $0x80, v4, vm0, $0xb8;
	[tilespmem:$0x10200] =	vst v63  }
0x21: {  	v3 =	vadd.s32 v1, v3  }
0x22: {  	[tilespmem:s24], [sflag:$0x1] =	stream.indirect_vreg.gather [hbm4b:s5+s2], $0x80, v4, vm0, $0xb8;
	[tilespmem:$0x10200] =	vst v63  }
0x23: {  	_ = 	snop  }
0x24: {  	[tilespmem:s26], [sflag:$0x1] =	stream.indirect_vreg.gather [hbm4b:s6+s2], $0x80, v4, vm0, $0xb8;
	[tilespmem:$0x10200] =	vst v63  }
0x25: {  	_ = 	snop  }
0x26: {  	[tilespmem:s28], [sflag:$0x1] =	stream.indirect_vreg.gather [hbm4b:s3+s2], $0x80, v3, vm0, $0xb8;
	[tilespmem:$0x10200] =	vst v63  }
0x27: {  	_ = 	snop  }
0x28: {  	[tilespmem:s29], [sflag:$0x1] =	stream.indirect_vreg.gather [hbm4b:s4+s2], $0x80, v3, vm0, $0xb8;
	[tilespmem:$0x10200] =	vst v63  }
0x29: {  	_ = 	snop  }
0x2a: {  	[tilespmem:s30], [sflag:$0x1] =	stream.indirect_vreg.gather [hbm4b:s5+s2], $0x80, v3, vm0, $0xb8;
	[tilespmem:$0x10200] =	vst v63  }
0x2b: {  	_ = 	snop  }
0x2c: {  	[tilespmem:s31], [sflag:$0x1] =	stream.indirect_vreg.gather [hbm4b:s6+s2], $0x80, v3, vm0, $0xb8;
	[tilespmem:$0x10200] =	vst v63  }
0x2d: {  	v3 =	vld [tilespmem:$0x10];
	_ =	sdelay $0x4  }
0x2e: {  	v57 =	vshll.u32 v3, $0x3  }
0x2f: {  	v3 =	vand.u32 $0x7, v3;
	v4 =	vand.u32 $0xFFFFFFC0, v57  }
0x30: {  	v3 =	vor.u32 v3, v4  }
0x31: {  	v4 =	vperm.xlane v3, v0;
	_ =	sdelay $0x1  }
0x32: {  	v4 =	vadd.s32 v1, v4;
	_ =	sdelay $0x3  }
0x33: {  	s0 =	simm.s32 $0x4200  }
0x34: {  	[tilespmem:s0], [sflag:$0x1] =	stream.indirect_vreg.gather [hbm4b:s3+s2], $0x80, v4, vm0, $0xb8;
	[tilespmem:$0x10200] =	vst v63  }
0x35: {  	v3 =	vperm.xlane v3, v2  }
0x36: {  	[tilespmem:s1], [sflag:$0x1] =	stream.indirect_vreg.gather [hbm4b:s4+s2], $0x80, v4, vm0, $0xb8;
	[tilespmem:$0x10200] =	vst v63  }
0x37: {  	v3 =	vadd.s32 v1, v3  }
0x38: {  	[tilespmem:s10], [sflag:$0x1] =	stream.indirect_vreg.gather [hbm4b:s5+s2], $0x80, v4, vm0, $0xb8;
	[tilespmem:$0x10200] =	vst v63  }
0x39: {  	_ = 	snop  }
0x3a: {  	[tilespmem:s11], [sflag:$0x1] =	stream.indirect_vreg.gather [hbm4b:s6+s2], $0x80, v4, vm0, $0xb8;
	[tilespmem:$0x10200] =	vst v63  }
0x3b: {  	_ = 	snop  }
0x3c: {  	[tilespmem:s12], [sflag:$0x1] =	stream.indirect_vreg.gather [hbm4b:s3+s2], $0x80, v3, vm0, $0xb8;
	[tilespmem:$0x10200] =	vst v63  }
0x3d: {  	_ = 	snop  }
0x3e: {  	[tilespmem:s13], [sflag:$0x1] =	stream.indirect_vreg.gather [hbm4b:s4+s2], $0x80, v3, vm0, $0xb8;
	[tilespmem:$0x10200] =	vst v63  }
0x3f: {  	_ = 	snop  }
0x40: {  	[tilespmem:s14], [sflag:$0x1] =	stream.indirect_vreg.gather [hbm4b:s5+s2], $0x80, v3, vm0, $0xb8;
	[tilespmem:$0x10200] =	vst v63  }
0x41: {  	_ = 	snop  }
0x42: {  	[tilespmem:s15], [sflag:$0x1] =	stream.indirect_vreg.gather [hbm4b:s6+s2], $0x80, v3, vm0, $0xb8;
	[tilespmem:$0x10200] =	vst v63  }
0x43: {  	v3 =	vld [tilespmem:$0x80];
	_ =	sdelay $0x4  }
0x44: {  	v58 =	vshll.u32 v3, $0x3  }
0x45: {  	v3 =	vand.u32 $0x7, v3;
	v4 =	vand.u32 $0xFFFFFFC0, v58  }
0x46: {  	v3 =	vor.u32 v3, v4  }
0x47: {  	v4 =	vperm.xlane v3, v0;
	_ =	sdelay $0x1  }
0x48: {  	v4 =	vadd.s32 v1, v4;
	_ =	sdelay $0x4  }
0x49: {  	[tilespmem:s18], [sflag:$0x2] =	stream.indirect_vreg.gather [hbm4b:s3+s2], $0x80, v4, vm0, $0xb8;
	[tilespmem:$0x10200] =	vst v63  }
0x4a: {  	v3 =	vperm.xlane v3, v2  }
0x4b: {  	[tilespmem:s16], [sflag:$0x2] =	stream.indirect_vreg.gather [hbm4b:s4+s2], $0x80, v4, vm0, $0xb8;
	[tilespmem:$0x10200] =	vst v63  }
0x4c: {  	v3 =	vadd.s32 v1, v3  }
0x4d: {  	[tilespmem:s17], [sflag:$0x2] =	stream.indirect_vreg.gather [hbm4b:s5+s2], $0x80, v4, vm0, $0xb8;
	[tilespmem:$0x10200] =	vst v63  }
0x4e: {  	s9 =	simm.s32 $0x9A00  }
0x4f: {  	[tilespmem:s9], [sflag:$0x2] =	stream.indirect_vreg.gather [hbm4b:s6+s2], $0x80, v4, vm0, $0xb8;
	[tilespmem:$0x10200] =	vst v63  }
0x50: {  	s9 =	simm.s32 $0xA200  }
0x51: {  	[tilespmem:s9], [sflag:$0x2] =	stream.indirect_vreg.gather [hbm4b:s3+s2], $0x80, v3, vm0, $0xb8;
	[tilespmem:$0x10200] =	vst v63  }
0x52: {  	s22 =	simm.s32 $0xAA00  }
0x53: {  	[tilespmem:s22], [sflag:$0x2] =	stream.indirect_vreg.gather [hbm4b:s4+s2], $0x80, v3, vm0, $0xb8;
	[tilespmem:$0x10200] =	vst v63  }
0x54: {  	s22 =	simm.s32 $0xB200  }
0x55: {  	[tilespmem:s22], [sflag:$0x2] =	stream.indirect_vreg.gather [hbm4b:s5+s2], $0x80, v3, vm0, $0xb8;
	[tilespmem:$0x10200] =	vst v63  }
0x56: {  	s22 =	simm.s32 $0xBA00  }
0x57: {  	[tilespmem:s22], [sflag:$0x2] =	stream.indirect_vreg.gather [hbm4b:s6+s2], $0x80, v3, vm0, $0xb8;
	[tilespmem:$0x10200] =	vst v63  }
0x58: {  	v3 =	vld [tilespmem:$0x90];
	_ =	sdelay $0x4  }
0x59: {  	v59 =	vshll.u32 v3, $0x3  }
0x5a: {  	v3 =	vand.u32 $0x7, v3;
	v4 =	vand.u32 $0xFFFFFFC0, v59  }
0x5b: {  	v3 =	vor.u32 v3, v4  }
0x5c: {  	v4 =	vperm.xlane v3, v0;
	_ =	sdelay $0x1  }
0x5d: {  	v4 =	vadd.s32 v1, v4;
	_ =	sdelay $0x3  }
0x5e: {  	s22 =	simm.s32 $0xC200  }
0x5f: {  	[tilespmem:s22], [sflag:$0x2] =	stream.indirect_vreg.gather [hbm4b:s3+s2], $0x80, v4, vm0, $0xb8;
	[tilespmem:$0x10200] =	vst v63  }
0x60: {  	v3 =	vperm.xlane v3, v2;
	s22 =	simm.s32 $0xCA00  }
0x61: {  	[tilespmem:s22], [sflag:$0x2] =	stream.indirect_vreg.gather [hbm4b:s4+s2], $0x80, v4, vm0, $0xb8;
	[tilespmem:$0x10200] =	vst v63  }
0x62: {  	v3 =	vadd.s32 v1, v3;
	s22 =	simm.s32 $0xD200  }
0x63: {  	[tilespmem:s22], [sflag:$0x2] =	stream.indirect_vreg.gather [hbm4b:s5+s2], $0x80, v4, vm0, $0xb8;
	[tilespmem:$0x10200] =	vst v63  }
0x64: {  	s22 =	simm.s32 $0xDA00  }
0x65: {  	[tilespmem:s22], [sflag:$0x2] =	stream.indirect_vreg.gather [hbm4b:s6+s2], $0x80, v4, vm0, $0xb8;
	[tilespmem:$0x10200] =	vst v63  }
0x66: {  	s22 =	simm.s32 $0xE200  }
0x67: {  	[tilespmem:s22], [sflag:$0x2] =	stream.indirect_vreg.gather [hbm4b:s3+s2], $0x80, v3, vm0, $0xb8;
	[tilespmem:$0x10200] =	vst v63  }
0x68: {  	s22 =	simm.s32 $0xEA00  }
0x69: {  	[tilespmem:s22], [sflag:$0x2] =	stream.indirect_vreg.gather [hbm4b:s4+s2], $0x80, v3, vm0, $0xb8;
	[tilespmem:$0x10200] =	vst v63  }
0x6a: {  	s22 =	simm.s32 $0xF200  }
0x6b: {  	[tilespmem:s22], [sflag:$0x2] =	stream.indirect_vreg.gather [hbm4b:s5+s2], $0x80, v3, vm0, $0xb8;
	[tilespmem:$0x10200] =	vst v63  }
0x6c: {  	s22 =	simm.s32 $0xFA00  }
0x6d: {  	[tilespmem:s22], [sflag:$0x2] =	stream.indirect_vreg.gather [hbm4b:s6+s2], $0x80, v3, vm0, $0xb8;
	[tilespmem:$0x10200] =	vst v63  }
0x6e: {  	_ =	swait.ge [sflag:s8], $0x8000  }
0x6f: {  	[sflag:s8] =	ssyncset.done $0x0  }
0x70: {  	s22 =	rddreg [dreg:$0x3];
	[sflag:s8] =	ssyncadd.s32 $0xFFFF8000  }
0x71: {  	[hbm4b:s22+s2] =	stream.linear.scatter [tilespmem:s25], [sflag:$0x3], $0x8000, $0x38;
	[tilespmem:$0x10200] =	vst v63  }
0x72: {  	_ =	swait.ge [sflag:s19], $0x8000  }
0x73: {  	[sflag:s19] =	ssyncset.done $0x0  }
0x74: {  	[sflag:s19] =	ssyncadd.s32 $0xFFFF8000  }
0x75: {  	v3 =	vld [tilespmem:$0x100];
	_ =	sdelay $0x4  }
0x76: {  	v60 =	vshll.u32 v3, $0x3  }
0x77: {  	v3 =	vand.u32 $0x7, v3;
	v4 =	vand.u32 $0xFFFFFFC0, v60  }
0x78: {  	v3 =	vor.u32 v3, v4  }
0x79: {  	v4 =	vperm.xlane v3, v0;
	_ =	sdelay $0x1  }
0x7a: {  	v4 =	vadd.s32 v1, v4;
	_ =	sdelay $0x4  }
0x7b: {  	[tilespmem:s25], [sflag:$0x1] =	stream.indirect_vreg.gather [hbm4b:s3+s2], $0x80, v4, vm0, $0xb8;
	[tilespmem:$0x10200] =	vst v63  }
0x7c: {  	v3 =	vperm.xlane v3, v2  }
0x7d: {  	[tilespmem:s23], [sflag:$0x1] =	stream.indirect_vreg.gather [hbm4b:s4+s2], $0x80, v4, vm0, $0xb8;
	[tilespmem:$0x10200] =	vst v63  }
0x7e: {  	v3 =	vadd.s32 v1, v3  }
0x7f: {  	[tilespmem:s24], [sflag:$0x1] =	stream.indirect_vreg.gather [hbm4b:s5+s2], $0x80, v4, vm0, $0xb8;
	[tilespmem:$0x10200] =	vst v63  }
0x80: {  	_ = 	snop  }
0x81: {  	[tilespmem:s26], [sflag:$0x1] =	stream.indirect_vreg.gather [hbm4b:s6+s2], $0x80, v4, vm0, $0xb8;
	[tilespmem:$0x10200] =	vst v63  }
0x82: {  	_ = 	snop  }
0x83: {  	[tilespmem:s28], [sflag:$0x1] =	stream.indirect_vreg.gather [hbm4b:s3+s2], $0x80, v3, vm0, $0xb8;
	[tilespmem:$0x10200] =	vst v63  }
0x84: {  	_ = 	snop  }
0x85: {  	[tilespmem:s29], [sflag:$0x1] =	stream.indirect_vreg.gather [hbm4b:s4+s2], $0x80, v3, vm0, $0xb8;
	[tilespmem:$0x10200] =	vst v63  }
0x86: {  	_ = 	snop  }
0x87: {  	[tilespmem:s30], [sflag:$0x1] =	stream.indirect_vreg.gather [hbm4b:s5+s2], $0x80, v3, vm0, $0xb8;
	[tilespmem:$0x10200] =	vst v63  }
0x88: {  	_ = 	snop  }
0x89: {  	[tilespmem:s31], [sflag:$0x1] =	stream.indirect_vreg.gather [hbm4b:s6+s2], $0x80, v3, vm0, $0xb8;
	[tilespmem:$0x10200] =	vst v63  }
0x8a: {  	v3 =	vld [tilespmem:$0x110];
	_ =	sdelay $0x4  }
0x8b: {  	v61 =	vshll.u32 v3, $0x3  }
0x8c: {  	v3 =	vand.u32 $0x7, v3;
	v4 =	vand.u32 $0xFFFFFFC0, v61  }
0x8d: {  	v3 =	vor.u32 v3, v4  }
0x8e: {  	v4 =	vperm.xlane v3, v0;
	_ =	sdelay $0x1  }
0x8f: {  	v4 =	vadd.s32 v1, v4;
	_ =	sdelay $0x4  }
0x90: {  	[tilespmem:s0], [sflag:$0x1] =	stream.indirect_vreg.gather [hbm4b:s3+s2], $0x80, v4, vm0, $0xb8;
	[tilespmem:$0x10200] =	vst v63  }
0x91: {  	v3 =	vperm.xlane v3, v2  }
0x92: {  	[tilespmem:s1], [sflag:$0x1] =	stream.indirect_vreg.gather [hbm4b:s4+s2], $0x80, v4, vm0, $0xb8;
	[tilespmem:$0x10200] =	vst v63  }
0x93: {  	v3 =	vadd.s32 v1, v3  }
0x94: {  	[tilespmem:s10], [sflag:$0x1] =	stream.indirect_vreg.gather [hbm4b:s5+s2], $0x80, v4, vm0, $0xb8;
	[tilespmem:$0x10200] =	vst v63  }
0x95: {  	_ = 	snop  }
0x96: {  	[tilespmem:s11], [sflag:$0x1] =	stream.indirect_vreg.gather [hbm4b:s6+s2], $0x80, v4, vm0, $0xb8;
	[tilespmem:$0x10200] =	vst v63  }
0x97: {  	_ = 	snop  }
0x98: {  	[tilespmem:s12], [sflag:$0x1] =	stream.indirect_vreg.gather [hbm4b:s3+s2], $0x80, v3, vm0, $0xb8;
	[tilespmem:$0x10200] =	vst v63  }
0x99: {  	_ = 	snop  }
0x9a: {  	[tilespmem:s13], [sflag:$0x1] =	stream.indirect_vreg.gather [hbm4b:s4+s2], $0x80, v3, vm0, $0xb8;
	[tilespmem:$0x10200] =	vst v63  }
0x9b: {  	_ = 	snop  }
0x9c: {  	[tilespmem:s14], [sflag:$0x1] =	stream.indirect_vreg.gather [hbm4b:s5+s2], $0x80, v3, vm0, $0xb8;
	[tilespmem:$0x10200] =	vst v63  }
0x9d: {  	_ = 	snop  }
0x9e: {  	[tilespmem:s15], [sflag:$0x1] =	stream.indirect_vreg.gather [hbm4b:s6+s2], $0x80, v3, vm0, $0xb8;
	[tilespmem:$0x10200] =	vst v63  }
0x9f: {  	_ =	swait.ge [sflag:s20], $0x8000  }
0xa0: {  	[sflag:s20] =	ssyncset.done $0x0  }
0xa1: {  	s0 =	rddreg [dreg:$0x4];
	[sflag:s20] =	ssyncadd.s32 $0xFFFF8000  }
0xa2: {  	[hbm4b:s0+s2] =	stream.linear.scatter [tilespmem:s18], [sflag:$0x4], $0x8000, $0x38;
	[tilespmem:$0x10200] =	vst v63  }
0xa3: {  	_ =	swait.ge [sflag:s21], $0x8000  }
0xa4: {  	[sflag:s21] =	ssyncset.done $0x0  }
0xa5: {  	[sflag:s21] =	ssyncadd.s32 $0xFFFF8000  }
0xa6: {  	v3 =	vld [tilespmem:$0x180];
	_ =	sdelay $0x4  }
0xa7: {  	v62 =	vshll.u32 v3, $0x3  }
0xa8: {  	v3 =	vand.u32 $0x7, v3;
	v4 =	vand.u32 $0xFFFFFFC0, v62  }
0xa9: {  	v3 =	vor.u32 v3, v4  }
0xaa: {  	v4 =	vperm.xlane v3, v0;
	_ =	sdelay $0x1  }
0xab: {  	v4 =	vadd.s32 v1, v4;
	_ =	sdelay $0x4  }
0xac: {  	[tilespmem:s18], [sflag:$0x2] =	stream.indirect_vreg.gather [hbm4b:s3+s2], $0x80, v4, vm0, $0xb8;
	[tilespmem:$0x10200] =	vst v63  }
0xad: {  	v3 =	vperm.xlane v3, v2  }
0xae: {  	[tilespmem:s16], [sflag:$0x2] =	stream.indirect_vreg.gather [hbm4b:s4+s2], $0x80, v4, vm0, $0xb8;
	[tilespmem:$0x10200] =	vst v63  }
0xaf: {  	v3 =	vadd.s32 v1, v3  }
0xb0: {  	[tilespmem:s17], [sflag:$0x2] =	stream.indirect_vreg.gather [hbm4b:s5+s2], $0x80, v4, vm0, $0xb8;
	[tilespmem:$0x10200] =	vst v63  }
0xb1: {  	s22 =	simm.s32 $0x9A00  }
0xb2: {  	[tilespmem:s22], [sflag:$0x2] =	stream.indirect_vreg.gather [hbm4b:s6+s2], $0x80, v4, vm0, $0xb8;
	[tilespmem:$0x10200] =	vst v63  }
0xb3: {  	_ = 	snop  }
0xb4: {  	[tilespmem:s9], [sflag:$0x2] =	stream.indirect_vreg.gather [hbm4b:s3+s2], $0x80, v3, vm0, $0xb8;
	[tilespmem:$0x10200] =	vst v63  }
0xb5: {  	s22 =	simm.s32 $0xAA00  }
0xb6: {  	[tilespmem:s22], [sflag:$0x2] =	stream.indirect_vreg.gather [hbm4b:s4+s2], $0x80, v3, vm0, $0xb8;
	[tilespmem:$0x10200] =	vst v63  }
0xb7: {  	s9 =	simm.s32 $0xB200  }
0xb8: {  	[tilespmem:s9], [sflag:$0x2] =	stream.indirect_vreg.gather [hbm4b:s5+s2], $0x80, v3, vm0, $0xb8;
	[tilespmem:$0x10200] =	vst v63  }
0xb9: {  	s22 =	simm.s32 $0xBA00  }
0xba: {  	[tilespmem:s22], [sflag:$0x2] =	stream.indirect_vreg.gather [hbm4b:s6+s2], $0x80, v3, vm0, $0xb8;
	[tilespmem:$0x10200] =	vst v63  }
0xbb: {  	v3 =	vld [tilespmem:$0x190];
	_ =	sdelay $0x4  }
0xbc: {  	v63 =	vshll.u32 v3, $0x3  }
0xbd: {  	v3 =	vand.u32 $0x7, v3;
	v4 =	vand.u32 $0xFFFFFFC0, v63  }
0xbe: {  	v3 =	vor.u32 v3, v4  }
0xbf: {  	v4 =	vperm.xlane v3, v0;
	_ =	sdelay $0x1  }
0xc0: {  	v4 =	vadd.s32 v1, v4;
	_ =	sdelay $0x3  }
0xc1: {  	s9 =	simm.s32 $0xC200  }
0xc2: {  	[tilespmem:s9], [sflag:$0x2] =	stream.indirect_vreg.gather [hbm4b:s3+s2], $0x80, v4, vm0, $0xb8;
	[tilespmem:$0x10200] =	vst v63  }
0xc3: {  	s22 =	simm.s32 $0xCA00;
	v3 =	vperm.xlane v3, v2  }
0xc4: {  	[tilespmem:s22], [sflag:$0x2] =	stream.indirect_vreg.gather [hbm4b:s4+s2], $0x80, v4, vm0, $0xb8;
	[tilespmem:$0x10200] =	vst v63  }
0xc5: {  	v3 =	vadd.s32 v1, v3;
	s9 =	simm.s32 $0xD200  }
0xc6: {  	[tilespmem:s9], [sflag:$0x2] =	stream.indirect_vreg.gather [hbm4b:s5+s2], $0x80, v4, vm0, $0xb8;
	[tilespmem:$0x10200] =	vst v63  }
0xc7: {  	s22 =	simm.s32 $0xDA00  }
0xc8: {  	[tilespmem:s22], [sflag:$0x2] =	stream.indirect_vreg.gather [hbm4b:s6+s2], $0x80, v4, vm0, $0xb8;
	[tilespmem:$0x10200] =	vst v63  }
0xc9: {  	s9 =	simm.s32 $0xE200  }
0xca: {  	[tilespmem:s9], [sflag:$0x2] =	stream.indirect_vreg.gather [hbm4b:s3+s2], $0x80, v3, vm0, $0xb8;
	[tilespmem:$0x10200] =	vst v63  }
0xcb: {  	s22 =	simm.s32 $0xEA00  }
0xcc: {  	[tilespmem:s22], [sflag:$0x2] =	stream.indirect_vreg.gather [hbm4b:s4+s2], $0x80, v3, vm0, $0xb8;
	[tilespmem:$0x10200] =	vst v63  }
0xcd: {  	s9 =	simm.s32 $0xF200  }
0xce: {  	[tilespmem:s9], [sflag:$0x2] =	stream.indirect_vreg.gather [hbm4b:s5+s2], $0x80, v3, vm0, $0xb8;
	[tilespmem:$0x10200] =	vst v63  }
0xcf: {  	s22 =	simm.s32 $0xFA00  }
0xd0: {  	[tilespmem:s22], [sflag:$0x2] =	stream.indirect_vreg.gather [hbm4b:s6+s2], $0x80, v3, vm0, $0xb8;
	[tilespmem:$0x10200] =	vst v63  }
0xd1: {  	_ =	swait.ge [sflag:s8], $0x8000  }
0xd2: {  	[sflag:s8] =	ssyncset.done $0x0  }
0xd3: {  	s0 =	rddreg [dreg:$0x5];
	[sflag:s8] =	ssyncadd.s32 $0xFFFF8000  }
0xd4: {  	[hbm4b:s0+s2] =	stream.linear.scatter [tilespmem:s25], [sflag:$0x3], $0x8000, $0x38;
	[tilespmem:$0x10200] =	vst v63  }
0xd5: {  	_ =	swait.ge [sflag:s20], $0x8000  }
0xd6: {  	[sflag:s20] =	ssyncset.done $0x0  }
0xd7: {  	s9 =	rddreg [dreg:$0x6];
	[sflag:s20] =	ssyncadd.s32 $0xFFFF8000  }
0xd8: {  	[hbm4b:s9+s2] =	stream.linear.scatter [tilespmem:s18], [sflag:$0x4], $0x8000, $0x38;
	[tilespmem:$0x10200] =	vst v63  }
0xd9: {  	p0 =	sne.s32 s7, $0x1;
	_ =	swait.ge [sflag:s21], $0x8000  }
.Ltmp0:
0xda: {  	[sflag:s21] =	ssyncset.done $0x0;
	(pc) =	sbr.rel @p0 .LBB2_1-.Ltmp0, $4  }
0xdb: {  	[sflag:s21] =	ssyncadd.s32 $0xFFFF8000  }
0xdc: {  	_ =	swait.ge [sflag:s19], $0x8000  }
0xdd: {  	[sflag:s19] =	ssyncset.done $0x0  }
0xde: {  	s7 =	sadd.s32 $0xFFFFFFFF, s7;
	[sflag:s19] =	ssyncadd.s32 $0xFFFF8000  }
0xdf: {  	_ =	sfence.sel $0x180000  }
0xe0: {  	[bflag:$0x0] =	sbarrier.arrive $0xFFFF  }
0xe1: {  	_ =	strace $0x9000004A  }
0xe2: {  	s0 =	stileid.u32;
	[bflag:$0x2] =	sbarrier.arrive $0xFFFF  }
0xe3: {  	p0 =	sne.s32 s0, $0x0;
	s0 =	rddreg [dreg:$0x1]  }
0xe4: {  	s0 =	sadd.s32 @!p0 $0x100000, s0  }
0xe5: {  	[sflag:s0] =	ssyncadd.tile.s32 @!p0 $0x1;
	_ =	shalt  }
.Lfunc_end2:
_tile_overlayer_lowered:
.L_overlay_start_2:
0xe6: {  	(tag) =	ssettag $0x2  }
0xe7: {  	s0 =	rddreg [dreg:$0x0];
	s2 =	stileid.u32  }
0xe8: {  	s1 =	rddreg [dreg:$0x1];
	p0 =	sne.s32 s2, $0x0  }
0xe9: {  	s3 =	rddreg [dreg:$0x2];
	[bflag:$0x3] =	sbarrier.arrive $0xFFFF;
	s2 =	simm.s32 @!p0 $0x1C05  }
0xea: {  	[timem:s3], [sflag:s2] =	dma.local @!p0 [hbm:s0], s1  }
0xeb: {  	s0 =	simm.s32 @!p0 $0x5  }
0xec: {  	_ =	swait.ge @!p0 [sflag:s0], s1  }
0xed: {  	s1 =	ssub.s32 @!p0 $0x0, s1;
	[sflag:s0] =	ssyncset.done @!p0 $0x0  }
0xee: {  	[sflag:s0] =	ssyncadd.s32 @!p0 s1  }
0xef: {  	[bflag:$0x3] =	sbarrier.arrive $0xFFFF  }
0xf0: {  	_ =	shalt  }

// kernel: kernel.7.cloned.1.call-start
scs
__scs_entry_jumppad:
0x0: {  	(pc) =	sbr.rel $0x88, $3  }
0x1: {  	(tag) =	ssettag $0x0;
	lr =	simm.s32 $0x1  }
0x2: {  	[smem:$0x3F8D] =	sst lr;
	_ =	strace $0xD0000000  }
0x3: {  	_ = 	snop  }
0x4: {  	_ = 	snop  }
0x5: {  	_ = 	snop  }
0x6: {  	_ = 	snop  }
0x7: {  	_ = 	snop  }
__scs_overlays_trampoline_lowered:
0x8: {  	[smem:$0x3F9C] =	sst s0  }
0x9: {  	[smem:$0x3F9D] =	sst s1  }
0xa: {  	[smem:$0x3F9E] =	sst s2  }
0xb: {  	[smem:$0x3F9F] =	sst s3  }
0xc: {  	[smem:$0x3FA0] =	sst s4  }
0xd: {  	[smem:$0x3FA1] =	sst s5  }
0xe: {  	[smem:$0x3FA2] =	sst s6  }
0xf: {  	[smem:$0x3FA3] =	sst s7  }
0x10: {  	[smem:$0x3FA4] =	sst s8  }
0x11: {  	[smem:$0x3FA5] =	sst s9;
	s0 =	simm.s32 @!p0 $0x0  }
0x12: {  	s1 =	sld [smem:$0x3F8B];
	s0 =	simm.s32 @p0 $0x1  }
0x13: {  	[smem:$0x3FA6] =	sst s0;
	s0 =	simm.s32 @!p1 $0x0  }
0x14: {  	s2 =	sld [smem:$0x3F8A];
	s0 =	simm.s32 @p1 $0x1  }
0x15: {  	[smem:$0x3FA7] =	sst s0;
	s0 =	simm.s32 @!p2 $0x0  }
0x16: {  	s3 =	sld [smem:$0x3FDB];
	s0 =	simm.s32 @p2 $0x1  }
0x17: {  	s4 =	simm.s32 $0x1BF5;
	[smem:$0x3FA9] =	sst s0  }
0x18: {  	s0 =	sld [smem:$0x3F8C];
	_ =	swait.ge [sflag:s4], $0x0  }
0x19: {  	s7 =	sld [smem:$0x3F8D]  }
0x1a: {  	s8 =	sadd.s32 $0xFFFFE003, lr  }
0x1b: {  	s9 =	sadd.s32 $0xFFFFFEF7, lr;
	s5 =	simm.s32 $0xFFFFFFFF;
	p2 =	slt.u32 s8, $0xFFFFF086  }
0x1c: {  	p1 =	slt.u32 s9, $0xF7A;
	s5 =	simm.s32 @!p2 $0x0  }
0x1d: {  	s5 =	simm.s32 @p1 $0x1;
	p0 =	seq.s32 s7, s2  }
0x1e: {  	s7 =	smul.u32 @!p0 $0xF7A, s2;
	p2 =	seq.s32 @!p0 s5, $0x0  }
0x1f: {  	s9 =	smul.u32 $0xF7A, s1;
	s8 =	simm.s32 @!p0 $0x1BF5;
	p2 =	por !p2, p0  }
0x20: {  	[sflag:s8] =	ssyncset.s32 @!p0 $0xFFFFF086;
	s6 =	sadd.s32 @!p0 s3, s7;
	s7 =	simm.s32 @!p0 $0x108  }
0x21: {  	s3 =	sadd.s32 s3, s9;
	s6 =	sadd.s32 @!p0 $0x88, s6;
	s7 =	simm.s32 @p2 $0x1082  }
0x22: {  	[simem:s7], [sflag:s8] =	dma.local @!p0 [hbm:s6], $0xF7A  }
0x23: {  	s9 =	sor.u32 $0xD0000000, s2;
	s6 =	simm.s32 $0x108;
	_ =	swait.ge @!p0 [sflag:s8], $0x0  }
0x24: {  	s3 =	sadd.s32 $0x88, s3;
	s6 =	simm.s32 @!p1 $0x1082;
	[sflag:s4] =	ssyncset.s32 $0xFFFFF086  }
0x25: {  	[simem:s6], [sflag:s4] =	dma.local [hbm:s3], $0xF7A  }
0x26: {  	[smem:$0x3F8D] =	sst s1;
	(tag) =	ssettag s2;
	_ =	strace s9  }
0x27: {  	s1 =	sld [smem:$0x3F9D]  }
0x28: {  	s2 =	sld [smem:$0x3F9E]  }
0x29: {  	s4 =	sld [smem:$0x3FA0]  }
0x2a: {  	p0 =	seq.s32 s5, $0x0;
	s5 =	sld [smem:$0x3FA1]  }
0x2b: {  	s6 =	sld [smem:$0x3FA2]  }
0x2c: {  	s7 =	sld [smem:$0x3FA3]  }
0x2d: {  	s3 =	simm.s32 $0x108;
	s8 =	sld [smem:$0x3FA4]  }
0x2e: {  	s3 =	simm.s32 @!p0 $0x1082;
	s9 =	sld [smem:$0x3FA5]  }
0x2f: {  	lr =	sadd.s32 s0, s3;
	s0 =	sld [smem:$0x3F9C]  }
0x30: {  	s3 =	sld [smem:$0x3F9F]  }
0x31: {  	[smem:$0x3FA8] =	sst s10  }
0x32: {  	s10 =	sld [smem:$0x3FA6];
	_ =	sdelay $0x3  }
0x33: {  	p0 =	seq.s32 s10, $0x1;
	s10 =	sld [smem:$0x3FA8];
	_ =	sdelay $0x3  }
0x34: {  	[smem:$0x3FA8] =	sst s10  }
0x35: {  	s10 =	sld [smem:$0x3FA7];
	_ =	sdelay $0x3  }
0x36: {  	p1 =	seq.s32 s10, $0x1;
	s10 =	sld [smem:$0x3FA8];
	_ =	sdelay $0x3  }
0x37: {  	[smem:$0x3FA8] =	sst s10  }
0x38: {  	s10 =	sld [smem:$0x3FA9]  }
0x39: {  	_ = 	snop;
	(pc) =	sbr.ind lr, $3  }
0x3a: {  	_ = 	snop  }
0x3b: {  	_ = 	snop  }
0x3c: {  	p2 =	seq.s32 s10, $0x1;
	s10 =	sld [smem:$0x3FA8]  }
0x3d: {  	_ =	shalt  }
0x3e: {  	_ =	shalt  }
0x3f: {  	_ =	shalt  }
0x40: {  	_ =	shalt  }
0x41: {  	_ =	shalt  }
0x42: {  	_ =	shalt  }
0x43: {  	_ =	shalt  }
0x44: {  	_ =	shalt  }
0x45: {  	_ =	shalt  }
0x46: {  	_ =	shalt  }
0x47: {  	_ =	shalt  }
0x48: {  	_ =	shalt  }
0x49: {  	_ =	shalt  }
0x4a: {  	_ =	shalt  }
0x4b: {  	_ =	shalt  }
0x4c: {  	_ =	shalt  }
0x4d: {  	_ =	shalt  }
0x4e: {  	_ =	shalt  }
0x4f: {  	_ =	shalt  }
0x50: {  	_ =	shalt  }
0x51: {  	_ =	shalt  }
0x52: {  	_ =	shalt  }
0x53: {  	_ =	shalt  }
0x54: {  	_ =	shalt  }
0x55: {  	_ =	shalt  }
0x56: {  	_ =	shalt  }
0x57: {  	_ =	shalt  }
0x58: {  	_ =	shalt  }
0x59: {  	_ =	shalt  }
0x5a: {  	_ =	shalt  }
0x5b: {  	_ =	shalt  }
0x5c: {  	_ =	shalt  }
0x5d: {  	_ =	shalt  }
0x5e: {  	_ =	shalt  }
0x5f: {  	_ =	shalt  }
0x60: {  	_ =	shalt  }
0x61: {  	_ =	shalt  }
0x62: {  	_ =	shalt  }
0x63: {  	_ =	shalt  }
0x64: {  	_ =	shalt  }
0x65: {  	_ =	shalt  }
0x66: {  	_ =	shalt  }
0x67: {  	_ =	shalt  }
0x68: {  	_ =	shalt  }
0x69: {  	_ =	shalt  }
0x6a: {  	_ =	shalt  }
0x6b: {  	_ =	shalt  }
0x6c: {  	_ =	shalt  }
0x6d: {  	_ =	shalt  }
0x6e: {  	_ =	shalt  }
0x6f: {  	_ =	shalt  }
0x70: {  	_ =	shalt  }
0x71: {  	_ =	shalt  }
0x72: {  	_ =	shalt  }
0x73: {  	_ =	shalt  }
0x74: {  	_ =	shalt  }
0x75: {  	_ =	shalt  }
0x76: {  	_ =	shalt  }
0x77: {  	_ =	shalt  }
0x78: {  	_ =	shalt  }
0x79: {  	_ =	shalt  }
0x7a: {  	_ =	shalt  }
0x7b: {  	_ =	shalt  }
0x7c: {  	_ =	shalt  }
0x7d: {  	_ =	shalt  }
0x7e: {  	_ =	shalt  }
0x7f: {  	_ =	shalt  }
0x80: {  	_ =	shalt  }
0x81: {  	_ =	shalt  }
0x82: {  	_ =	shalt  }
0x83: {  	_ =	shalt  }
0x84: {  	_ =	shalt  }
0x85: {  	_ =	shalt  }
0x86: {  	_ =	shalt  }
0x87: {  	_ =	shalt  }
.Lfunc_end0:
.L_simem_size_0:
called_computation_lowered:
.L_overlay_start_0:
0x88: {  	s2 =	sld [smem:$0x3FD9]  }
0x89: {  	s3 =	sld [smem:$0x3FFE];
	_ =	sdelay $0x1  }
0x8a: {  	s1 =	srdreg.scid  }
0x8b: {  	s0 =	sand.u32 $0x1, s1  }
0x8c: {  	s16 =	sshll.u32 s0, $0xA;
	s2 =	sadd.s32 s3, s2  }
0x8d: {  	s2 =	sadd.s32 s2, s16  }
0x8e: {  	[smem:$0x3FB4] =	sst s2  }
0x8f: {  	_ = 	snop  }
0x90: {  	(tm) =	ssettm $0x1  }
0x91: {  	s17 =	sld [smem:$0x3FFB];
	_ =	sdelay $0x3  }
0x92: {  	_ =	strace s17  }
0x93: {  	s2 =	sld [smem:$0x3FFC];
	_ =	sdelay $0x3  }
0x94: {  	_ =	strace s2  }
0x95: {  	s2 =	sld [smem:$0x3FFD];
	_ =	sdelay $0x3  }
0x96: {  	_ =	strace s2  }
0x97: {  	_ =	strace $0x8FFFFFFF  }
0x98: {  	s18 =	sld [smem:$0x3FDB];
	_ =	sdelay $0x1  }
0x99: {  	s19 =	simm.s32 $_scs_section_size  }
0x9a: {  	s4 =	simm.s32 $_size__tile_overlayer_lowered;
	s5 =	simm.s32 $_tile_overlayer_lowered  }
0x9b: {  	s22 =	simm.s32 $0x1BFF;
	s21 =	sshll.u32 s5, $0x1;
	s2 =	sadd.s32 s19, s18  }
0x9c: {  	s6 =	simm.s32 $0x0;
	s20 =	sshll.u32 s4, $0x1;
	s4 =	sadd.s32 s21, s2  }
0x9d: {  	[timem:s6], [sflag:s22] =	dma.local [hbm:s4], s20  }
0x9e: {  	_ =	swait.ge [sflag:s22], s20  }
0x9f: {  	s3 =	ssub.s32 $0x0, s20;
	[sflag:s22] =	ssyncset.done $0x0  }
0xa0: {  	[sflag:s22] =	ssyncadd.s32 s3;
	_ =	sdelay $0x1  }
0xa1: {  	s23 =	simm.s32 $0x1B8B  }
0xa2: {  	_ =	swait.ge [sflag:s23], $0x1  }
0xa3: {  	[sflag:s23] =	ssyncset.done $0x0  }
0xa4: {  	s25 =	simm.s32 $0x1B8E;
	s24 =	sld [smem:$0x3FFE];
	[sflag:s23] =	ssyncadd.s32 $0xFFFFFFFF  }
0xa5: {  	s26 =	simm.s32 $execute0_lowered;
	[smem:$0x3FD2] =	sst s25  }
0xa6: {  	s4 =	sshll.u32 s26, $0x1;
	_ =	strace $0x80000046;
	[dreg:$0x1] =	wrdreg $0xFFFFFFFF  }
0xa7: {  	s28 =	simm.s32 $_size_execute0_lowered;
	s2 =	sadd.s32 s2, s4;
	[dreg:$0x0] =	wrdreg $0x0  }
0xa8: {  	s4 =	sshll.u32 s28, $0x1;
	[dreg:$0x2] =	wrdreg s2  }
0xa9: {  	[dreg:$0x3] =	wrdreg s4  }
0xaa: {  	[dreg:$0x4] =	wrdreg $0xC0  }
0xab: {  	_ =	task [dreg:s6], $0x5FFFF  }
0xac: {  	[dreg:$0x1] =	wrdreg $0xFFFFFFFF  }
0xad: {  	[dreg:$0x0] =	wrdreg $0x60  }
0xae: {  	[dreg:$0x2] =	wrdreg s24  }
0xaf: {  	[dreg:$0x3] =	wrdreg $0x9  }
0xb0: {  	_ =	task.clear_ibuf [dreg:s6], $0x4FFFF;
	_ =	strace $0x90000046  }
0xb1: {  	s29 =	simm.s32 $0x9;
	_ =	strace $0x80000048  }
0xb2: {  	_ =	swait.ge [sflag:s29], $0x1  }
0xb3: {  	[sflag:s29] =	ssyncadd.s32 $0xFFFFFFFF  }
0xb4: {  	_ =	strace $0x90000048  }
0xb5: {  	_ =	sfence  }
0xb6: {  	s30 =	sld [smem:$0x0];
	_ =	sdelay $0x2  }
0xb7: {  	s31 =	sshll.u32 s1, $0xD;
	s1 =	sshrl.u32 s1, $0x2  }
0xb8: {  	s3 =	sand.u32 $0x4000, s31;
	s1 =	sadd.s32 s1, s30  }
0xb9: {  	s0 =	sor.u32 s3, s0;
	s1 =	sshll.u32 s1, $0x11  }
0xba: {  	s0 =	sor.u32 s1, s0  }
0xbb: {  	s0 =	sadd.s32 $0x8F2B, s0  }
0xbc: {  	[sflag:s0] =	ssyncadd.remote.s32 $0x1  }
0xbd: {  	_ =	sfence.sel $0xFFFF  }
0xbe: {  	[dreg:$0x0] =	wrdreg $0xFFFFFFFF;
	(pc) =	sbr.abs _section_cstart, $3  }
0xbf: {  	[dreg:$0x1] =	wrdreg $0xFFFFFFFF  }
0xc0: {  	_ =	task.clear_ibuf [dreg:s6], $0x2FFFF;
	_ =	strace $0x9FFFFFFF  }
0xc1: {  	(tm) =	ssettm $0x7FFFFFFF  }
tec
execute0_lowered:
.L_overlay_start_1:
0x0: {  	(tag) =	ssettag $0x1  }
0x1: {  	s0 =	srdreg.scid;
	s2 =	stileid.u32  }
0x2: {  	s1 =	rddreg [dreg:$0x0];
	s23 =	simm.s32 $0x4;
	s11 =	simm.s32 $0x8200  }
0x3: {  	s28 =	simm.s32 $0x1;
	s30 =	simm.s32 $0x1A00;
	s31 =	simm.s32 $0x2200  }
0x4: {  	s29 =	simm.s32 $0x3;
	s21 =	simm.s32 $0x8A00;
	s22 =	simm.s32 $0x9200  }
0x5: {  	s9 =	simm.s32 $0xA200;
	s12 =	simm.s32 $0xB200;
	s13 =	simm.s32 $0xBA00  }
0x6: {  	s14 =	simm.s32 $0xC200;
	s15 =	simm.s32 $0xCA00;
	s16 =	simm.s32 $0xD200  }
0x7: {  	s17 =	simm.s32 $0xDA00;
	s18 =	simm.s32 $0xE200;
	s19 =	simm.s32 $0xEA00  }
0x8: {  	s20 =	simm.s32 $0xF200;
	s0 =	sand.u32 $0x1, s0;
	s2 =	sshll.u32 s2, $0x1  }
0x9: {  	s6 =	sadd.s32 $0x44300, s1;
	s3 =	sor.u32 s0, s2;
	s2 =	simm.s32 $0x0  }
0xa: {  	s0 =	ssub.s32 $0x2, s0;
	s4 =	sshll.u32 s3, $0xE;
	s3 =	sshll.u32 s3, $0x6  }
0xb: {  	[smem:$0x7FF] =	sst s2;
	s4 =	sand.u32 $0x3C000, s4;
	s3 =	sadd.s32 s3, s1  }
0xc: {  	s25 =	sshrl.u32 s0, $0x1;
	s7 =	sadd.s32 s4, s1;
	s3 =	sadd.s32 $0x43800, s3  }
0xd: {  	_ =	strace $0x80000047;
	[dreg:$0x2] =	wrdreg s3;
	s24 =	sadd.s32 $0x3800, s7  }
0xe: {  	s0 =	ssub.s32 s0, s25;
	s5 =	sadd.s32 $0x4800, s7;
	[dreg:$0x3] =	wrdreg s24  }
0xf: {  	s4 =	sadd.s32 $0x44100, s1;
	s8 =	sadd.s32 $0x5800, s7;
	[dreg:$0x4] =	wrdreg s5  }
0x10: {  	v2 =	vlaneseq.u32;
	s3 =	sadd.s32 $0x44000, s1;
	s26 =	sadd.s32 $0x6800, s7;
	[dreg:$0x5] =	wrdreg s8  }
0x11: {  	vm0 =	vmmov $0xffff;
	v1 =	vshrl.u32 v2, $0x3;
	s7 =	smax.u32 s0, $0x1;
	s5 =	sadd.s32 $0x44200, s1;
	[dreg:$0x6] =	wrdreg s26  }
0x12: {  	v0 =	vand.u32 $0x7, v2;
	v2 =	vor.u32 $0x8, v2;
	v1 =	vmul.u32 $0x8, v1;
	s26 =	simm.s32 $0x1200;
	s8 =	simm.s32 $0x9A00;
	s1 =	simm.s32 $0xAA00  }
.LBB2_1:
0x13: {  	s24 =	rddreg [dreg:$0x2];
	s0 =	simm.s32 $0x5  }
0x14: {  	[tilespmem:s2], [sflag:$0x5] =	stream.linear.gather [hbm4b:s24+s2], $0x200, $0x38;
	[tilespmem:$0x10200] =	vst v63  }
0x15: {  	_ =	swait.ge [sflag:s0], $0x200  }
0x16: {  	[sflag:s0] =	ssyncset.done $0x0  }
0x17: {  	s10 =	simm.s32 $0x200;
	s24 =	rddreg [dreg:$0x3];
	[sflag:s0] =	ssyncadd.s32 $0xFFFFFE00  }
0x18: {  	[tilespmem:s10], [sflag:$0x1] =	stream.linear.gather [hbm4b:s24+s2], $0x8000, $0x38;
	[tilespmem:$0x10200] =	vst v63  }
0x19: {  	s25 =	rddreg [dreg:$0x4]  }
0x1a: {  	[tilespmem:s11], [sflag:$0x2] =	stream.linear.gather [hbm4b:s25+s2], $0x8000, $0x38;
	[tilespmem:$0x10200] =	vst v63  }
0x1b: {  	_ =	swait.ge [sflag:s28], $0x8000  }
0x1c: {  	[sflag:s28] =	ssyncset.done $0x0  }
0x1d: {  	[sflag:s28] =	ssyncadd.s32 $0xFFFF8000  }
0x1e: {  	v3 =	vld [tilespmem:$0x0];
	_ =	sdelay $0x4  }
0x1f: {  	v4 =	vshll.u32 v3, $0x3  }
0x20: {  	v3 =	vand.u32 $0x7, v3;
	v4 =	vand.u32 $0xFFFFFFC0, v4  }
0x21: {  	v3 =	vor.u32 v3, v4  }
0x22: {  	v4 =	vperm.xlane v3, v0;
	_ =	sdelay $0x1  }
0x23: {  	v4 =	vadd.s32 v1, v4;
	_ =	sdelay $0x4  }
0x24: {  	[hbm4b:s3+s2] =	stream.indirect_vreg.scatter [tilespmem:s10], [sflag:$0x3], $0x80, v4, vm0, $0xb8;
	[tilespmem:$0x10200] =	vst v63  }
0x25: {  	s24 =	simm.s32 $0xA00;
	v3 =	vperm.xlane v3, v2  }
0x26: {  	[hbm4b:s4+s2] =	stream.indirect_vreg.scatter [tilespmem:s24], [sflag:$0x3], $0x80, v4, vm0, $0xb8;
	[tilespmem:$0x10200] =	vst v63  }
0x27: {  	v3 =	vadd.s32 v1, v3  }
0x28: {  	[hbm4b:s5+s2] =	stream.indirect_vreg.scatter [tilespmem:s26], [sflag:$0x3], $0x80, v4, vm0, $0xb8;
	[tilespmem:$0x10200] =	vst v63  }
0x29: {  	_ = 	snop  }
0x2a: {  	[hbm4b:s6+s2] =	stream.indirect_vreg.scatter [tilespmem:s30], [sflag:$0x3], $0x80, v4, vm0, $0xb8;
	[tilespmem:$0x10200] =	vst v63  }
0x2b: {  	_ = 	snop  }
0x2c: {  	[hbm4b:s3+s2] =	stream.indirect_vreg.scatter [tilespmem:s31], [sflag:$0x3], $0x80, v3, vm0, $0xb8;
	[tilespmem:$0x10200] =	vst v63  }
0x2d: {  	s25 =	simm.s32 $0x2A00  }
0x2e: {  	[hbm4b:s4+s2] =	stream.indirect_vreg.scatter [tilespmem:s25], [sflag:$0x3], $0x80, v3, vm0, $0xb8;
	[tilespmem:$0x10200] =	vst v63  }
0x2f: {  	s24 =	simm.s32 $0x3200  }
0x30: {  	[hbm4b:s5+s2] =	stream.indirect_vreg.scatter [tilespmem:s24], [sflag:$0x3], $0x80, v3, vm0, $0xb8;
	[tilespmem:$0x10200] =	vst v63  }
0x31: {  	s25 =	simm.s32 $0x3A00  }
0x32: {  	[hbm4b:s6+s2] =	stream.indirect_vreg.scatter [tilespmem:s25], [sflag:$0x3], $0x80, v3, vm0, $0xb8;
	[tilespmem:$0x10200] =	vst v63  }
0x33: {  	v3 =	vld [tilespmem:$0x10];
	_ =	sdelay $0x4  }
0x34: {  	v57 =	vshll.u32 v3, $0x3  }
0x35: {  	v3 =	vand.u32 $0x7, v3;
	v4 =	vand.u32 $0xFFFFFFC0, v57  }
0x36: {  	v3 =	vor.u32 v3, v4  }
0x37: {  	v4 =	vperm.xlane v3, v0;
	_ =	sdelay $0x1  }
0x38: {  	v4 =	vadd.s32 v1, v4;
	_ =	sdelay $0x3  }
0x39: {  	s24 =	simm.s32 $0x4200  }
0x3a: {  	[hbm4b:s3+s2] =	stream.indirect_vreg.scatter [tilespmem:s24], [sflag:$0x3], $0x80, v4, vm0, $0xb8;
	[tilespmem:$0x10200] =	vst v63  }
0x3b: {  	s25 =	simm.s32 $0x4A00;
	v3 =	vperm.xlane v3, v2  }
0x3c: {  	[hbm4b:s4+s2] =	stream.indirect_vreg.scatter [tilespmem:s25], [sflag:$0x3], $0x80, v4, vm0, $0xb8;
	[tilespmem:$0x10200] =	vst v63  }
0x3d: {  	v3 =	vadd.s32 v1, v3;
	s24 =	simm.s32 $0x5200  }
0x3e: {  	[hbm4b:s5+s2] =	stream.indirect_vreg.scatter [tilespmem:s24], [sflag:$0x3], $0x80, v4, vm0, $0xb8;
	[tilespmem:$0x10200] =	vst v63  }
0x3f: {  	s25 =	simm.s32 $0x5A00  }
0x40: {  	[hbm4b:s6+s2] =	stream.indirect_vreg.scatter [tilespmem:s25], [sflag:$0x3], $0x80, v4, vm0, $0xb8;
	[tilespmem:$0x10200] =	vst v63  }
0x41: {  	s24 =	simm.s32 $0x6200  }
0x42: {  	[hbm4b:s3+s2] =	stream.indirect_vreg.scatter [tilespmem:s24], [sflag:$0x3], $0x80, v3, vm0, $0xb8;
	[tilespmem:$0x10200] =	vst v63  }
0x43: {  	s25 =	simm.s32 $0x6A00  }
0x44: {  	[hbm4b:s4+s2] =	stream.indirect_vreg.scatter [tilespmem:s25], [sflag:$0x3], $0x80, v3, vm0, $0xb8;
	[tilespmem:$0x10200] =	vst v63  }
0x45: {  	s24 =	simm.s32 $0x7200  }
0x46: {  	[hbm4b:s5+s2] =	stream.indirect_vreg.scatter [tilespmem:s24], [sflag:$0x3], $0x80, v3, vm0, $0xb8;
	[tilespmem:$0x10200] =	vst v63  }
0x47: {  	s25 =	simm.s32 $0x7A00  }
0x48: {  	[hbm4b:s6+s2] =	stream.indirect_vreg.scatter [tilespmem:s25], [sflag:$0x3], $0x80, v3, vm0, $0xb8;
	[tilespmem:$0x10200] =	vst v63  }
0x49: {  	_ =	swait.ge [sflag:s29], $0x8000  }
0x4a: {  	[sflag:s29] =	ssyncset.done $0x0  }
0x4b: {  	s0 =	rddreg [dreg:$0x5];
	[sflag:s29] =	ssyncadd.s32 $0xFFFF8000  }
0x4c: {  	[tilespmem:s10], [sflag:$0x1] =	stream.linear.gather [hbm4b:s0+s2], $0x8000, $0x38;
	[tilespmem:$0x10200] =	vst v63  }
0x4d: {  	s0 =	simm.s32 $0x2  }
0x4e: {  	_ =	swait.ge [sflag:s0], $0x8000  }
0x4f: {  	[sflag:s0] =	ssyncset.done $0x0  }
0x50: {  	[sflag:s0] =	ssyncadd.s32 $0xFFFF8000  }
0x51: {  	v3 =	vld [tilespmem:$0x80];
	_ =	sdelay $0x4  }
0x52: {  	v58 =	vshll.u32 v3, $0x3  }
0x53: {  	v3 =	vand.u32 $0x7, v3;
	v4 =	vand.u32 $0xFFFFFFC0, v58  }
0x54: {  	v3 =	vor.u32 v3, v4  }
0x55: {  	v4 =	vperm.xlane v3, v0;
	_ =	sdelay $0x1  }
0x56: {  	v4 =	vadd.s32 v1, v4;
	_ =	sdelay $0x4  }
0x57: {  	[hbm4b:s3+s2] =	stream.indirect_vreg.scatter [tilespmem:s11], [sflag:$0x4], $0x80, v4, vm0, $0xb8;
	[tilespmem:$0x10200] =	vst v63  }
0x58: {  	v3 =	vperm.xlane v3, v2  }
0x59: {  	[hbm4b:s4+s2] =	stream.indirect_vreg.scatter [tilespmem:s21], [sflag:$0x4], $0x80, v4, vm0, $0xb8;
	[tilespmem:$0x10200] =	vst v63  }
0x5a: {  	v3 =	vadd.s32 v1, v3  }
0x5b: {  	[hbm4b:s5+s2] =	stream.indirect_vreg.scatter [tilespmem:s22], [sflag:$0x4], $0x80, v4, vm0, $0xb8;
	[tilespmem:$0x10200] =	vst v63  }
0x5c: {  	_ = 	snop  }
0x5d: {  	[hbm4b:s6+s2] =	stream.indirect_vreg.scatter [tilespmem:s8], [sflag:$0x4], $0x80, v4, vm0, $0xb8;
	[tilespmem:$0x10200] =	vst v63  }
0x5e: {  	_ = 	snop  }
0x5f: {  	[hbm4b:s3+s2] =	stream.indirect_vreg.scatter [tilespmem:s9], [sflag:$0x4], $0x80, v3, vm0, $0xb8;
	[tilespmem:$0x10200] =	vst v63  }
0x60: {  	_ = 	snop  }
0x61: {  	[hbm4b:s4+s2] =	stream.indirect_vreg.scatter [tilespmem:s1], [sflag:$0x4], $0x80, v3, vm0, $0xb8;
	[tilespmem:$0x10200] =	vst v63  }
0x62: {  	_ = 	snop  }
0x63: {  	[hbm4b:s5+s2] =	stream.indirect_vreg.scatter [tilespmem:s12], [sflag:$0x4], $0x80, v3, vm0, $0xb8;
	[tilespmem:$0x10200] =	vst v63  }
0x64: {  	_ = 	snop  }
0x65: {  	[hbm4b:s6+s2] =	stream.indirect_vreg.scatter [tilespmem:s13], [sflag:$0x4], $0x80, v3, vm0, $0xb8;
	[tilespmem:$0x10200] =	vst v63  }
0x66: {  	v3 =	vld [tilespmem:$0x90];
	_ =	sdelay $0x4  }
0x67: {  	v59 =	vshll.u32 v3, $0x3  }
0x68: {  	v3 =	vand.u32 $0x7, v3;
	v4 =	vand.u32 $0xFFFFFFC0, v59  }
0x69: {  	v3 =	vor.u32 v3, v4  }
0x6a: {  	v4 =	vperm.xlane v3, v0;
	_ =	sdelay $0x1  }
0x6b: {  	v4 =	vadd.s32 v1, v4;
	_ =	sdelay $0x4  }
0x6c: {  	[hbm4b:s3+s2] =	stream.indirect_vreg.scatter [tilespmem:s14], [sflag:$0x4], $0x80, v4, vm0, $0xb8;
	[tilespmem:$0x10200] =	vst v63  }
0x6d: {  	v3 =	vperm.xlane v3, v2  }
0x6e: {  	[hbm4b:s4+s2] =	stream.indirect_vreg.scatter [tilespmem:s15], [sflag:$0x4], $0x80, v4, vm0, $0xb8;
	[tilespmem:$0x10200] =	vst v63  }
0x6f: {  	v3 =	vadd.s32 v1, v3  }
0x70: {  	[hbm4b:s5+s2] =	stream.indirect_vreg.scatter [tilespmem:s16], [sflag:$0x4], $0x80, v4, vm0, $0xb8;
	[tilespmem:$0x10200] =	vst v63  }
0x71: {  	_ = 	snop  }
0x72: {  	[hbm4b:s6+s2] =	stream.indirect_vreg.scatter [tilespmem:s17], [sflag:$0x4], $0x80, v4, vm0, $0xb8;
	[tilespmem:$0x10200] =	vst v63  }
0x73: {  	_ = 	snop  }
0x74: {  	[hbm4b:s3+s2] =	stream.indirect_vreg.scatter [tilespmem:s18], [sflag:$0x4], $0x80, v3, vm0, $0xb8;
	[tilespmem:$0x10200] =	vst v63  }
0x75: {  	_ = 	snop  }
0x76: {  	[hbm4b:s4+s2] =	stream.indirect_vreg.scatter [tilespmem:s19], [sflag:$0x4], $0x80, v3, vm0, $0xb8;
	[tilespmem:$0x10200] =	vst v63  }
0x77: {  	_ = 	snop  }
0x78: {  	[hbm4b:s5+s2] =	stream.indirect_vreg.scatter [tilespmem:s20], [sflag:$0x4], $0x80, v3, vm0, $0xb8;
	[tilespmem:$0x10200] =	vst v63  }
0x79: {  	s25 =	simm.s32 $0xFA00  }
0x7a: {  	[hbm4b:s6+s2] =	stream.indirect_vreg.scatter [tilespmem:s25], [sflag:$0x4], $0x80, v3, vm0, $0xb8;
	[tilespmem:$0x10200] =	vst v63  }
0x7b: {  	_ =	swait.ge [sflag:s23], $0x8000  }
0x7c: {  	[sflag:s23] =	ssyncset.done $0x0  }
0x7d: {  	s24 =	rddreg [dreg:$0x6];
	[sflag:s23] =	ssyncadd.s32 $0xFFFF8000  }
0x7e: {  	[tilespmem:s11], [sflag:$0x2] =	stream.linear.gather [hbm4b:s24+s2], $0x8000, $0x38;
	[tilespmem:$0x10200] =	vst v63  }
0x7f: {  	_ =	swait.ge [sflag:s28], $0x8000  }
0x80: {  	[sflag:s28] =	ssyncset.done $0x0  }
0x81: {  	[sflag:s28] =	ssyncadd.s32 $0xFFFF8000  }
0x82: {  	v3 =	vld [tilespmem:$0x100];
	_ =	sdelay $0x4  }
0x83: {  	v60 =	vshll.u32 v3, $0x3  }
0x84: {  	v3 =	vand.u32 $0x7, v3;
	v4 =	vand.u32 $0xFFFFFFC0, v60  }
0x85: {  	v3 =	vor.u32 v3, v4  }
0x86: {  	v4 =	vperm.xlane v3, v0;
	_ =	sdelay $0x1  }
0x87: {  	v4 =	vadd.s32 v1, v4;
	_ =	sdelay $0x4  }
0x88: {  	[hbm4b:s3+s2] =	stream.indirect_vreg.scatter [tilespmem:s10], [sflag:$0x3], $0x80, v4, vm0, $0xb8;
	[tilespmem:$0x10200] =	vst v63  }
0x89: {  	s24 =	simm.s32 $0xA00;
	v3 =	vperm.xlane v3, v2  }
0x8a: {  	[hbm4b:s4+s2] =	stream.indirect_vreg.scatter [tilespmem:s24], [sflag:$0x3], $0x80, v4, vm0, $0xb8;
	[tilespmem:$0x10200] =	vst v63  }
0x8b: {  	v3 =	vadd.s32 v1, v3  }
0x8c: {  	[hbm4b:s5+s2] =	stream.indirect_vreg.scatter [tilespmem:s26], [sflag:$0x3], $0x80, v4, vm0, $0xb8;
	[tilespmem:$0x10200] =	vst v63  }
0x8d: {  	_ = 	snop  }
0x8e: {  	[hbm4b:s6+s2] =	stream.indirect_vreg.scatter [tilespmem:s30], [sflag:$0x3], $0x80, v4, vm0, $0xb8;
	[tilespmem:$0x10200] =	vst v63  }
0x8f: {  	_ = 	snop  }
0x90: {  	[hbm4b:s3+s2] =	stream.indirect_vreg.scatter [tilespmem:s31], [sflag:$0x3], $0x80, v3, vm0, $0xb8;
	[tilespmem:$0x10200] =	vst v63  }
0x91: {  	s24 =	simm.s32 $0x2A00  }
0x92: {  	[hbm4b:s4+s2] =	stream.indirect_vreg.scatter [tilespmem:s24], [sflag:$0x3], $0x80, v3, vm0, $0xb8;
	[tilespmem:$0x10200] =	vst v63  }
0x93: {  	s24 =	simm.s32 $0x3200  }
0x94: {  	[hbm4b:s5+s2] =	stream.indirect_vreg.scatter [tilespmem:s24], [sflag:$0x3], $0x80, v3, vm0, $0xb8;
	[tilespmem:$0x10200] =	vst v63  }
0x95: {  	s24 =	simm.s32 $0x3A00  }
0x96: {  	[hbm4b:s6+s2] =	stream.indirect_vreg.scatter [tilespmem:s24], [sflag:$0x3], $0x80, v3, vm0, $0xb8;
	[tilespmem:$0x10200] =	vst v63  }
0x97: {  	v3 =	vld [tilespmem:$0x110];
	_ =	sdelay $0x4  }
0x98: {  	v61 =	vshll.u32 v3, $0x3  }
0x99: {  	v3 =	vand.u32 $0x7, v3;
	v4 =	vand.u32 $0xFFFFFFC0, v61  }
0x9a: {  	v3 =	vor.u32 v3, v4  }
0x9b: {  	v4 =	vperm.xlane v3, v0;
	_ =	sdelay $0x1  }
0x9c: {  	v4 =	vadd.s32 v1, v4;
	_ =	sdelay $0x3  }
0x9d: {  	s24 =	simm.s32 $0x4200  }
0x9e: {  	[hbm4b:s3+s2] =	stream.indirect_vreg.scatter [tilespmem:s24], [sflag:$0x3], $0x80, v4, vm0, $0xb8;
	[tilespmem:$0x10200] =	vst v63  }
0x9f: {  	v3 =	vperm.xlane v3, v2;
	s24 =	simm.s32 $0x4A00  }
0xa0: {  	[hbm4b:s4+s2] =	stream.indirect_vreg.scatter [tilespmem:s24], [sflag:$0x3], $0x80, v4, vm0, $0xb8;
	[tilespmem:$0x10200] =	vst v63  }
0xa1: {  	v3 =	vadd.s32 v1, v3;
	s24 =	simm.s32 $0x5200  }
0xa2: {  	[hbm4b:s5+s2] =	stream.indirect_vreg.scatter [tilespmem:s24], [sflag:$0x3], $0x80, v4, vm0, $0xb8;
	[tilespmem:$0x10200] =	vst v63  }
0xa3: {  	s24 =	simm.s32 $0x5A00  }
0xa4: {  	[hbm4b:s6+s2] =	stream.indirect_vreg.scatter [tilespmem:s24], [sflag:$0x3], $0x80, v4, vm0, $0xb8;
	[tilespmem:$0x10200] =	vst v63  }
0xa5: {  	s24 =	simm.s32 $0x6200  }
0xa6: {  	[hbm4b:s3+s2] =	stream.indirect_vreg.scatter [tilespmem:s24], [sflag:$0x3], $0x80, v3, vm0, $0xb8;
	[tilespmem:$0x10200] =	vst v63  }
0xa7: {  	s24 =	simm.s32 $0x6A00  }
0xa8: {  	[hbm4b:s4+s2] =	stream.indirect_vreg.scatter [tilespmem:s24], [sflag:$0x3], $0x80, v3, vm0, $0xb8;
	[tilespmem:$0x10200] =	vst v63  }
0xa9: {  	s24 =	simm.s32 $0x7200  }
0xaa: {  	[hbm4b:s5+s2] =	stream.indirect_vreg.scatter [tilespmem:s24], [sflag:$0x3], $0x80, v3, vm0, $0xb8;
	[tilespmem:$0x10200] =	vst v63  }
0xab: {  	s24 =	simm.s32 $0x7A00  }
0xac: {  	[hbm4b:s6+s2] =	stream.indirect_vreg.scatter [tilespmem:s24], [sflag:$0x3], $0x80, v3, vm0, $0xb8;
	[tilespmem:$0x10200] =	vst v63  }
0xad: {  	_ =	swait.ge [sflag:s0], $0x8000  }
0xae: {  	[sflag:s0] =	ssyncset.done $0x0  }
0xaf: {  	[sflag:s0] =	ssyncadd.s32 $0xFFFF8000  }
0xb0: {  	v3 =	vld [tilespmem:$0x180];
	_ =	sdelay $0x4  }
0xb1: {  	v62 =	vshll.u32 v3, $0x3  }
0xb2: {  	v3 =	vand.u32 $0x7, v3;
	v4 =	vand.u32 $0xFFFFFFC0, v62  }
0xb3: {  	v3 =	vor.u32 v3, v4  }
0xb4: {  	v4 =	vperm.xlane v3, v0;
	_ =	sdelay $0x1  }
0xb5: {  	v4 =	vadd.s32 v1, v4;
	_ =	sdelay $0x4  }
0xb6: {  	[hbm4b:s3+s2] =	stream.indirect_vreg.scatter [tilespmem:s11], [sflag:$0x4], $0x80, v4, vm0, $0xb8;
	[tilespmem:$0x10200] =	vst v63  }
0xb7: {  	v3 =	vperm.xlane v3, v2  }
0xb8: {  	[hbm4b:s4+s2] =	stream.indirect_vreg.scatter [tilespmem:s21], [sflag:$0x4], $0x80, v4, vm0, $0xb8;
	[tilespmem:$0x10200] =	vst v63  }
0xb9: {  	v3 =	vadd.s32 v1, v3  }
0xba: {  	[hbm4b:s5+s2] =	stream.indirect_vreg.scatter [tilespmem:s22], [sflag:$0x4], $0x80, v4, vm0, $0xb8;
	[tilespmem:$0x10200] =	vst v63  }
0xbb: {  	_ = 	snop  }
0xbc: {  	[hbm4b:s6+s2] =	stream.indirect_vreg.scatter [tilespmem:s8], [sflag:$0x4], $0x80, v4, vm0, $0xb8;
	[tilespmem:$0x10200] =	vst v63  }
0xbd: {  	_ = 	snop  }
0xbe: {  	[hbm4b:s3+s2] =	stream.indirect_vreg.scatter [tilespmem:s9], [sflag:$0x4], $0x80, v3, vm0, $0xb8;
	[tilespmem:$0x10200] =	vst v63  }
0xbf: {  	_ = 	snop  }
0xc0: {  	[hbm4b:s4+s2] =	stream.indirect_vreg.scatter [tilespmem:s1], [sflag:$0x4], $0x80, v3, vm0, $0xb8;
	[tilespmem:$0x10200] =	vst v63  }
0xc1: {  	_ = 	snop  }
0xc2: {  	[hbm4b:s5+s2] =	stream.indirect_vreg.scatter [tilespmem:s12], [sflag:$0x4], $0x80, v3, vm0, $0xb8;
	[tilespmem:$0x10200] =	vst v63  }
0xc3: {  	_ = 	snop  }
0xc4: {  	[hbm4b:s6+s2] =	stream.indirect_vreg.scatter [tilespmem:s13], [sflag:$0x4], $0x80, v3, vm0, $0xb8;
	[tilespmem:$0x10200] =	vst v63  }
0xc5: {  	v3 =	vld [tilespmem:$0x190];
	_ =	sdelay $0x4  }
0xc6: {  	v63 =	vshll.u32 v3, $0x3  }
0xc7: {  	v3 =	vand.u32 $0x7, v3;
	v4 =	vand.u32 $0xFFFFFFC0, v63  }
0xc8: {  	v3 =	vor.u32 v3, v4  }
0xc9: {  	v4 =	vperm.xlane v3, v0;
	_ =	sdelay $0x1  }
0xca: {  	v4 =	vadd.s32 v1, v4;
	_ =	sdelay $0x4  }
0xcb: {  	[hbm4b:s3+s2] =	stream.indirect_vreg.scatter [tilespmem:s14], [sflag:$0x4], $0x80, v4, vm0, $0xb8;
	[tilespmem:$0x10200] =	vst v63  }
0xcc: {  	v3 =	vperm.xlane v3, v2  }
0xcd: {  	[hbm4b:s4+s2] =	stream.indirect_vreg.scatter [tilespmem:s15], [sflag:$0x4], $0x80, v4, vm0, $0xb8;
	[tilespmem:$0x10200] =	vst v63  }
0xce: {  	v3 =	vadd.s32 v1, v3  }
0xcf: {  	[hbm4b:s5+s2] =	stream.indirect_vreg.scatter [tilespmem:s16], [sflag:$0x4], $0x80, v4, vm0, $0xb8;
	[tilespmem:$0x10200] =	vst v63  }
0xd0: {  	_ = 	snop  }
0xd1: {  	[hbm4b:s6+s2] =	stream.indirect_vreg.scatter [tilespmem:s17], [sflag:$0x4], $0x80, v4, vm0, $0xb8;
	[tilespmem:$0x10200] =	vst v63  }
0xd2: {  	_ = 	snop  }
0xd3: {  	[hbm4b:s3+s2] =	stream.indirect_vreg.scatter [tilespmem:s18], [sflag:$0x4], $0x80, v3, vm0, $0xb8;
	[tilespmem:$0x10200] =	vst v63  }
0xd4: {  	_ = 	snop  }
0xd5: {  	[hbm4b:s4+s2] =	stream.indirect_vreg.scatter [tilespmem:s19], [sflag:$0x4], $0x80, v3, vm0, $0xb8;
	[tilespmem:$0x10200] =	vst v63  }
0xd6: {  	_ = 	snop  }
0xd7: {  	[hbm4b:s5+s2] =	stream.indirect_vreg.scatter [tilespmem:s20], [sflag:$0x4], $0x80, v3, vm0, $0xb8;
	[tilespmem:$0x10200] =	vst v63  }
0xd8: {  	_ = 	snop  }
0xd9: {  	[hbm4b:s6+s2] =	stream.indirect_vreg.scatter [tilespmem:s25], [sflag:$0x4], $0x80, v3, vm0, $0xb8;
	[tilespmem:$0x10200] =	vst v63  }
0xda: {  	p0 =	sne.s32 s7, $0x1;
	_ =	swait.ge [sflag:s23], $0x8000  }
.Ltmp0:
0xdb: {  	[sflag:s23] =	ssyncset.done $0x0;
	(pc) =	sbr.rel @p0 .LBB2_1-.Ltmp0, $4  }
0xdc: {  	[sflag:s23] =	ssyncadd.s32 $0xFFFF8000  }
0xdd: {  	_ =	swait.ge [sflag:s29], $0x8000  }
0xde: {  	[sflag:s29] =	ssyncset.done $0x0  }
0xdf: {  	s7 =	sadd.s32 $0xFFFFFFFF, s7;
	[sflag:s29] =	ssyncadd.s32 $0xFFFF8000  }
0xe0: {  	_ =	sfence.sel $0x180000  }
0xe1: {  	[bflag:$0x0] =	sbarrier.arrive $0xFFFF  }
0xe2: {  	_ =	strace $0x90000047  }
0xe3: {  	s0 =	stileid.u32;
	[bflag:$0x2] =	sbarrier.arrive $0xFFFF  }
0xe4: {  	p0 =	sne.s32 s0, $0x0;
	s0 =	rddreg [dreg:$0x1]  }
0xe5: {  	s0 =	sadd.s32 @!p0 $0x100000, s0  }
0xe6: {  	[sflag:s0] =	ssyncadd.tile.s32 @!p0 $0x1;
	_ =	shalt  }
.Lfunc_end2:
_tile_overlayer_lowered:
.L_overlay_start_2:
0xe7: {  	(tag) =	ssettag $0x2  }
0xe8: {  	s0 =	rddreg [dreg:$0x0];
	s2 =	stileid.u32  }
0xe9: {  	s1 =	rddreg [dreg:$0x1];
	p0 =	sne.s32 s2, $0x0  }
0xea: {  	s3 =	rddreg [dreg:$0x2];
	[bflag:$0x3] =	sbarrier.arrive $0xFFFF;
	s2 =	simm.s32 @!p0 $0x1C05  }
0xeb: {  	[timem:s3], [sflag:s2] =	dma.local @!p0 [hbm:s0], s1  }
0xec: {  	s0 =	simm.s32 @!p0 $0x5  }
0xed: {  	_ =	swait.ge @!p0 [sflag:s0], s1  }
0xee: {  	s1 =	ssub.s32 @!p0 $0x0, s1;
	[sflag:s0] =	ssyncset.done @!p0 $0x0  }
0xef: {  	[sflag:s0] =	ssyncadd.s32 @!p0 s1  }
0xf0: {  	[bflag:$0x3] =	sbarrier.arrive $0xFFFF  }
0xf1: {  	_ =	shalt  }

</sc_bundles>
